<compile_context>
chip_gen: v7x
topology: tpu7x:2x2x1
jax: 0.10.2.dev20260603
libtpu: 0.0.44.dev20260713+nightly
codegen_flags: <defaults>
</compile_context>

<pallas_src>
import functools

import jax
import jax.numpy as jnp
from jax import lax
from jax.experimental import pallas as pl
from jax.experimental.pallas import tpu as pltpu
from jax.experimental.pallas import tpu_sc as plsc

D = 64
TP = 128
B = 16384
NC = 2
NS = 16
NW = NC * NS
BPW = B // NW
CH = 128
NCH = BPW // CH
L = 16

_mesh = plsc.VectorSubcoreMesh(core_axis_name="c", subcore_axis_name="s")


@functools.partial(
    pl.kernel,
    mesh=_mesh,
    out_type=jax.ShapeDtypeStruct((D, B), jnp.float32),
    scratch_types=[
        pltpu.VMEM((BPW,), jnp.int32),
        pltpu.VMEM((BPW, TP), jnp.float32),
        pltpu.VMEM((D, BPW), jnp.float32),
        pltpu.SemaphoreType.DMA,
        pltpu.SemaphoreType.DMA,
        pltpu.SemaphoreType.DMA,
        pltpu.SemaphoreType.DMA,
    ],
    compiler_params=pltpu.CompilerParams(
        use_tc_tiling_on_sc=True, needs_layout_passes=False
    ),
)
def _gather_kernel(
    idx_hbm, table_hbm, out_hbm, idx_v, rows_v, outb_v, s0, s1, s2, s3
):
    wid = lax.axis_index("s") * NC + lax.axis_index("c")
    base = wid * BPW
    pltpu.sync_copy(idx_hbm.at[pl.ds(base, BPW)], idx_v)
    sems = (s0, s1, s2, s3)
    copies = [
        pltpu.async_copy(
            table_hbm.at[idx_v.at[pl.ds(j * CH, CH)]],
            rows_v.at[pl.ds(j * CH, CH)],
            sems[j],
        )
        for j in range(NCH)
    ]
    lane = lax.iota(jnp.int32, L)
    for j in range(NCH):
        copies[j].wait()

        @plsc.parallel_loop(0, D, unroll=4)
        def _transpose(c):
            col_idx = jnp.full((L,), c, jnp.int32)
            for bg in range(CH // L):
                row_idx = lane + (j * CH + bg * L)
                v = plsc.load_gather(rows_v, [row_idx, col_idx])
                outb_v[c, pl.ds(j * CH + bg * L, L)] = v

    pltpu.sync_copy(outb_v, out_hbm.at[:, pl.ds(base, BPW)])


def kernel(speaker_ids, table):
    tpad = jnp.pad(table, ((0, 0), (0, TP - D)))
    out_t = _gather_kernel(speaker_ids.astype(jnp.int32), tpad)
    return out_t.T

# --- scband reference (transcript-rebuilt; emitter-appended) ---
"""Pipeline reference for scband-voice-packet-embedding-41205916238527 (READ-ONLY COPY).

The authoritative reference and input builder live on the scoring server;
editing this copy changes nothing except your own understanding.
"""

import jax, jax.numpy as jnp
import numpy as np

N_SPEAKERS = 100000
STYLE_DIM = 64
BATCH = 16384

def setup_inputs(seed: int = 0) -> dict:
    key = jax.random.key(seed)
    k_table, k_ids = jax.random.split(key)
    # nn.Embedding weight initialized with normal(0, 0.1) per the module's __init__
    table = jax.random.normal(k_table, (N_SPEAKERS, STYLE_DIM), dtype=jnp.float32) * 0.1
    speaker_ids = jax.random.randint(k_ids, (BATCH,), 0, N_SPEAKERS, dtype=jnp.int64)
    return {"speaker_ids": speaker_ids, "table": table}

def reference(speaker_ids, table):
    # forward path with speaker_ids provided: plain embedding lookup
    return jnp.take(table, speaker_ids, axis=0)

if __name__ == "__main__":
    import jax
    _d = setup_inputs()
    print(jax.jit(kernel)(*tuple(_d.values())))

</pallas_src>

<mosaic_0001>
#map = affine_map<(d0, d1) -> (0)>
#map1 = affine_map<(d0, d1) -> (0, 0)>
module attributes {stable_mosaic.version = 14 : i64} {
  func.func @_gather_kernel(%arg0: i32, %arg1: i32, %arg2: memref<16384xi32, #tpu.memory_space<hbm>>, %arg3: memref<100000x128xf32, #tpu.memory_space<hbm>>, %arg4: memref<64x16384xf32, #tpu.memory_space<hbm>>, %arg5: memref<512xi32, #tpu.memory_space<vmem>>, %arg6: memref<512x128xf32, #tpu.memory_space<vmem>>, %arg7: memref<64x512xf32, #tpu.memory_space<vmem>>, %arg8: memref<!tpu.dma_semaphore, #tpu.memory_space<semaphore_mem>>, %arg9: memref<!tpu.dma_semaphore, #tpu.memory_space<semaphore_mem>>, %arg10: memref<!tpu.dma_semaphore, #tpu.memory_space<semaphore_mem>>, %arg11: memref<!tpu.dma_semaphore, #tpu.memory_space<semaphore_mem>>) attributes {dimension_semantics = [#tpu.dimension_semantics<core_parallel>, #tpu.dimension_semantics<subcore_parallel>], iteration_bounds = array<i64: 2, 16>, scalar_prefetch = 0 : i64, scratch_operands = 7 : i64, tpu.core_type = #tpu.core_type<sc_vector_subcore>, window_params = [{transform_indices = #map}, {transform_indices = #map1}, {transform_indices = #map1}]} {
    %mul3A = arith.constant 2 : i32
    %mul3A_0 = arith.muli %arg1, %mul3A : i32
    %add3A = arith.addi %mul3A_0, %arg0 : i32
    %mul3A_1 = arith.constant 512 : i32
    %mul3A_2 = arith.muli %add3A, %mul3A_1 : i32
    "tpu.region"() ({
      %run_scoped3A = tpu.sem_alloc : memref<!tpu.dma_semaphore, #tpu.memory_space<semaphore_mem>>
      %dma_start3A_76 = tpu.memref_slice %arg2[%mul3A_2] : memref<16384xi32, #tpu.memory_space<hbm>> -> memref<512xi32, #tpu.memory_space<hbm>>
      %dma_start3A_77 = tpu.memref_slice %arg2[%mul3A_2] : memref<16384xi32, #tpu.memory_space<hbm>> -> memref<512xi32, #tpu.memory_space<hbm>>
      tpu.enqueue_dma source(%dma_start3A_77 : memref<512xi32, #tpu.memory_space<hbm>>) target(%arg5 : memref<512xi32, #tpu.memory_space<vmem>>) target_semaphore(%run_scoped3A : memref<!tpu.dma_semaphore, #tpu.memory_space<semaphore_mem>>)
      %dma_wait3A_78 = tpu.memref_slice %arg2[%mul3A_2] : memref<16384xi32, #tpu.memory_space<hbm>> -> memref<512xi32, #tpu.memory_space<hbm>>
      %dma_wait3A_79 = tpu.memref_slice %arg2[%mul3A_2] : memref<16384xi32, #tpu.memory_space<hbm>> -> memref<512xi32, #tpu.memory_space<hbm>>
      tpu.wait_dma2 semaphore(%run_scoped3A : memref<!tpu.dma_semaphore, #tpu.memory_space<semaphore_mem>>) src(%dma_wait3A_79 : memref<512xi32, #tpu.memory_space<hbm>>) dst(%arg5 : memref<512xi32, #tpu.memory_space<vmem>>)
      tpu.yield
    }) : () -> ()
    %dma_start3A = arith.constant 0 : i32
    %dma_start3A_3 = arith.constant 0 : i32
    %dma_start3A_4 = tpu.memref_slice %arg6[%dma_start3A, %dma_start3A_3] : memref<512x128xf32, #tpu.memory_space<vmem>> -> memref<128x128xf32, #tpu.memory_space<vmem>>
    %dma_start3A_5 = arith.constant 0 : i32
    %dma_start3A_6 = tpu.memref_slice %arg5[%dma_start3A_5] : memref<512xi32, #tpu.memory_space<vmem>> -> memref<128xi32, #tpu.memory_space<vmem>>
    %dma_start3A_7 = arith.constant 0 : i32
    %dma_start3A_8 = arith.constant 0 : i32
    %dma_start3A_9 = tpu.memref_slice %arg3[%dma_start3A_7, %dma_start3A_8] : memref<100000x128xf32, #tpu.memory_space<hbm>> -> memref<100000x128xf32, #tpu.memory_space<hbm>>
    tpu.enqueue_indirect_dma source(%dma_start3A_9 : memref<100000x128xf32, #tpu.memory_space<hbm>>) target(%dma_start3A_4 : memref<128x128xf32, #tpu.memory_space<vmem>>) offsets(%dma_start3A_6 : memref<128xi32, #tpu.memory_space<vmem>>) semaphore(%arg8 : memref<!tpu.dma_semaphore, #tpu.memory_space<semaphore_mem>>)
    %dma_start3A_10 = arith.constant 128 : i32
    %dma_start3A_11 = arith.constant 0 : i32
    %dma_start3A_12 = tpu.memref_slice %arg6[%dma_start3A_10, %dma_start3A_11] : memref<512x128xf32, #tpu.memory_space<vmem>> -> memref<128x128xf32, #tpu.memory_space<vmem>>
    %dma_start3A_13 = arith.constant 128 : i32
    %dma_start3A_14 = tpu.memref_slice %arg5[%dma_start3A_13] : memref<512xi32, #tpu.memory_space<vmem>> -> memref<128xi32, #tpu.memory_space<vmem>>
    %dma_start3A_15 = arith.constant 0 : i32
    %dma_start3A_16 = arith.constant 0 : i32
    %dma_start3A_17 = tpu.memref_slice %arg3[%dma_start3A_15, %dma_start3A_16] : memref<100000x128xf32, #tpu.memory_space<hbm>> -> memref<100000x128xf32, #tpu.memory_space<hbm>>
    tpu.enqueue_indirect_dma source(%dma_start3A_17 : memref<100000x128xf32, #tpu.memory_space<hbm>>) target(%dma_start3A_12 : memref<128x128xf32, #tpu.memory_space<vmem>>) offsets(%dma_start3A_14 : memref<128xi32, #tpu.memory_space<vmem>>) semaphore(%arg9 : memref<!tpu.dma_semaphore, #tpu.memory_space<semaphore_mem>>)
    %dma_start3A_18 = arith.constant 256 : i32
    %dma_start3A_19 = arith.constant 0 : i32
    %dma_start3A_20 = tpu.memref_slice %arg6[%dma_start3A_18, %dma_start3A_19] : memref<512x128xf32, #tpu.memory_space<vmem>> -> memref<128x128xf32, #tpu.memory_space<vmem>>
    %dma_start3A_21 = arith.constant 256 : i32
    %dma_start3A_22 = tpu.memref_slice %arg5[%dma_start3A_21] : memref<512xi32, #tpu.memory_space<vmem>> -> memref<128xi32, #tpu.memory_space<vmem>>
    %dma_start3A_23 = arith.constant 0 : i32
    %dma_start3A_24 = arith.constant 0 : i32
    %dma_start3A_25 = tpu.memref_slice %arg3[%dma_start3A_23, %dma_start3A_24] : memref<100000x128xf32, #tpu.memory_space<hbm>> -> memref<100000x128xf32, #tpu.memory_space<hbm>>
    tpu.enqueue_indirect_dma source(%dma_start3A_25 : memref<100000x128xf32, #tpu.memory_space<hbm>>) target(%dma_start3A_20 : memref<128x128xf32, #tpu.memory_space<vmem>>) offsets(%dma_start3A_22 : memref<128xi32, #tpu.memory_space<vmem>>) semaphore(%arg10 : memref<!tpu.dma_semaphore, #tpu.memory_space<semaphore_mem>>)
    %dma_start3A_26 = arith.constant 384 : i32
    %dma_start3A_27 = arith.constant 0 : i32
    %dma_start3A_28 = tpu.memref_slice %arg6[%dma_start3A_26, %dma_start3A_27] : memref<512x128xf32, #tpu.memory_space<vmem>> -> memref<128x128xf32, #tpu.memory_space<vmem>>
    %dma_start3A_29 = arith.constant 384 : i32
    %dma_start3A_30 = tpu.memref_slice %arg5[%dma_start3A_29] : memref<512xi32, #tpu.memory_space<vmem>> -> memref<128xi32, #tpu.memory_space<vmem>>
    %dma_start3A_31 = arith.constant 0 : i32
    %dma_start3A_32 = arith.constant 0 : i32
    %dma_start3A_33 = tpu.memref_slice %arg3[%dma_start3A_31, %dma_start3A_32] : memref<100000x128xf32, #tpu.memory_space<hbm>> -> memref<100000x128xf32, #tpu.memory_space<hbm>>
    tpu.enqueue_indirect_dma source(%dma_start3A_33 : memref<100000x128xf32, #tpu.memory_space<hbm>>) target(%dma_start3A_28 : memref<128x128xf32, #tpu.memory_space<vmem>>) offsets(%dma_start3A_30 : memref<128xi32, #tpu.memory_space<vmem>>) semaphore(%arg11 : memref<!tpu.dma_semaphore, #tpu.memory_space<semaphore_mem>>)
    %iota3A = tpu.iota {dimensions = array<i32: 0>} : vector<16xi32>
    %dma_wait3A = arith.constant 0 : i32
    %dma_wait3A_34 = arith.constant 0 : i32
    %dma_wait3A_35 = tpu.memref_slice %arg6[%dma_wait3A, %dma_wait3A_34] : memref<512x128xf32, #tpu.memory_space<vmem>> -> memref<128x128xf32, #tpu.memory_space<vmem>>
    %dma_wait3A_36 = arith.constant 0 : i32
    %dma_wait3A_37 = tpu.memref_slice %arg5[%dma_wait3A_36] : memref<512xi32, #tpu.memory_space<vmem>> -> memref<128xi32, #tpu.memory_space<vmem>>
    %dma_wait3A_38 = arith.constant 0 : i32
    %dma_wait3A_39 = arith.constant 0 : i32
    %dma_wait3A_40 = tpu.memref_slice %arg3[%dma_wait3A_38, %dma_wait3A_39] : memref<100000x128xf32, #tpu.memory_space<hbm>> -> memref<100000x128xf32, #tpu.memory_space<hbm>>
    tpu.wait_indirect_dma semaphore(%arg8 : memref<!tpu.dma_semaphore, #tpu.memory_space<semaphore_mem>>) src(%dma_wait3A_40 : memref<100000x128xf32, #tpu.memory_space<hbm>>) dst(%dma_wait3A_35 : memref<128x128xf32, #tpu.memory_space<vmem>>)
    %parallel_loop3A = arith.constant 0 : i32
    %parallel_loop3A_41 = arith.constant 64 : i32
    %parallel_loop3A_42 = arith.constant 1 : i32
    scf.for %parallel_loop3A_76 = %parallel_loop3A to %parallel_loop3A_41 step %parallel_loop3A_42  : i32 {
      %parallel_loop3A_77 = vector.broadcast %parallel_loop3A_76 : i32 to vector<16xi32>
      %parallel_loop3A_78 = arith.constant 0 : i32
      %parallel_loop3A_79 = vector.broadcast %parallel_loop3A_78 : i32 to vector<16xi32>
      %parallel_loop3A_80 = arith.addi %iota3A, %parallel_loop3A_79 : vector<16xi32>
      %parallel_loop3A_81 = tpu.vector_load_idx %arg6[%parallel_loop3A_80, %parallel_loop3A_77] : memref<512x128xf32, #tpu.memory_space<vmem>>[vector<16xi32>, vector<16xi32>], vector<16xf32>,
      %parallel_loop3A_82 = arith.index_cast %parallel_loop3A_76 : i32 to index
      %parallel_loop3A_83 = arith.constant 0 : index
      %parallel_loop3A_84 = tpu.vector_load %arg7[%parallel_loop3A_82, %parallel_loop3A_83] {strides = array<i32>} : memref<64x512xf32, #tpu.memory_space<vmem>>, vector<16xf32>,
      tpu.vector_store %arg7[%parallel_loop3A_82, %parallel_loop3A_83], %parallel_loop3A_81 {strides = array<i32>} : memref<64x512xf32, #tpu.memory_space<vmem>>, vector<16xf32>,
      %parallel_loop3A_85 = arith.constant 16 : i32
      %parallel_loop3A_86 = vector.broadcast %parallel_loop3A_85 : i32 to vector<16xi32>
      %parallel_loop3A_87 = arith.addi %iota3A, %parallel_loop3A_86 : vector<16xi32>
      %parallel_loop3A_88 = tpu.vector_load_idx %arg6[%parallel_loop3A_87, %parallel_loop3A_77] : memref<512x128xf32, #tpu.memory_space<vmem>>[vector<16xi32>, vector<16xi32>], vector<16xf32>,
      %parallel_loop3A_89 = arith.index_cast %parallel_loop3A_76 : i32 to index
      %parallel_loop3A_90 = arith.constant 16 : index
      %parallel_loop3A_91 = tpu.vector_load %arg7[%parallel_loop3A_89, %parallel_loop3A_90] {strides = array<i32>} : memref<64x512xf32, #tpu.memory_space<vmem>>, vector<16xf32>,
      tpu.vector_store %arg7[%parallel_loop3A_89, %parallel_loop3A_90], %parallel_loop3A_88 {strides = array<i32>} : memref<64x512xf32, #tpu.memory_space<vmem>>, vector<16xf32>,
      %parallel_loop3A_92 = arith.constant 32 : i32
      %parallel_loop3A_93 = vector.broadcast %parallel_loop3A_92 : i32 to vector<16xi32>
      %parallel_loop3A_94 = arith.addi %iota3A, %parallel_loop3A_93 : vector<16xi32>
      %parallel_loop3A_95 = tpu.vector_load_idx %arg6[%parallel_loop3A_94, %parallel_loop3A_77] : memref<512x128xf32, #tpu.memory_space<vmem>>[vector<16xi32>, vector<16xi32>], vector<16xf32>,
      %parallel_loop3A_96 = arith.index_cast %parallel_loop3A_76 : i32 to index
      %parallel_loop3A_97 = arith.constant 32 : index
      %parallel_loop3A_98 = tpu.vector_load %arg7[%parallel_loop3A_96, %parallel_loop3A_97] {strides = array<i32>} : memref<64x512xf32, #tpu.memory_space<vmem>>, vector<16xf32>,
      tpu.vector_store %arg7[%parallel_loop3A_96, %parallel_loop3A_97], %parallel_loop3A_95 {strides = array<i32>} : memref<64x512xf32, #tpu.memory_space<vmem>>, vector<16xf32>,
      %parallel_loop3A_99 = arith.constant 48 : i32
      %parallel_loop3A_100 = vector.broadcast %parallel_loop3A_99 : i32 to vector<16xi32>
      %parallel_loop3A_101 = arith.addi %iota3A, %parallel_loop3A_100 : vector<16xi32>
      %parallel_loop3A_102 = tpu.vector_load_idx %arg6[%parallel_loop3A_101, %parallel_loop3A_77] : memref<512x128xf32, #tpu.memory_space<vmem>>[vector<16xi32>, vector<16xi32>], vector<16xf32>,
      %parallel_loop3A_103 = arith.index_cast %parallel_loop3A_76 : i32 to index
      %parallel_loop3A_104 = arith.constant 48 : index
      %parallel_loop3A_105 = tpu.vector_load %arg7[%parallel_loop3A_103, %parallel_loop3A_104] {strides = array<i32>} : memref<64x512xf32, #tpu.memory_space<vmem>>, vector<16xf32>,
      tpu.vector_store %arg7[%parallel_loop3A_103, %parallel_loop3A_104], %parallel_loop3A_102 {strides = array<i32>} : memref<64x512xf32, #tpu.memory_space<vmem>>, vector<16xf32>,
      %parallel_loop3A_106 = arith.constant 64 : i32
      %parallel_loop3A_107 = vector.broadcast %parallel_loop3A_106 : i32 to vector<16xi32>
      %parallel_loop3A_108 = arith.addi %iota3A, %parallel_loop3A_107 : vector<16xi32>
      %parallel_loop3A_109 = tpu.vector_load_idx %arg6[%parallel_loop3A_108, %parallel_loop3A_77] : memref<512x128xf32, #tpu.memory_space<vmem>>[vector<16xi32>, vector<16xi32>], vector<16xf32>,
      %parallel_loop3A_110 = arith.index_cast %parallel_loop3A_76 : i32 to index
      %parallel_loop3A_111 = arith.constant 64 : index
      %parallel_loop3A_112 = tpu.vector_load %arg7[%parallel_loop3A_110, %parallel_loop3A_111] {strides = array<i32>} : memref<64x512xf32, #tpu.memory_space<vmem>>, vector<16xf32>,
      tpu.vector_store %arg7[%parallel_loop3A_110, %parallel_loop3A_111], %parallel_loop3A_109 {strides = array<i32>} : memref<64x512xf32, #tpu.memory_space<vmem>>, vector<16xf32>,
      %parallel_loop3A_113 = arith.constant 80 : i32
      %parallel_loop3A_114 = vector.broadcast %parallel_loop3A_113 : i32 to vector<16xi32>
      %parallel_loop3A_115 = arith.addi %iota3A, %parallel_loop3A_114 : vector<16xi32>
      %parallel_loop3A_116 = tpu.vector_load_idx %arg6[%parallel_loop3A_115, %parallel_loop3A_77] : memref<512x128xf32, #tpu.memory_space<vmem>>[vector<16xi32>, vector<16xi32>], vector<16xf32>,
      %parallel_loop3A_117 = arith.index_cast %parallel_loop3A_76 : i32 to index
      %parallel_loop3A_118 = arith.constant 80 : index
      %parallel_loop3A_119 = tpu.vector_load %arg7[%parallel_loop3A_117, %parallel_loop3A_118] {strides = array<i32>} : memref<64x512xf32, #tpu.memory_space<vmem>>, vector<16xf32>,
      tpu.vector_store %arg7[%parallel_loop3A_117, %parallel_loop3A_118], %parallel_loop3A_116 {strides = array<i32>} : memref<64x512xf32, #tpu.memory_space<vmem>>, vector<16xf32>,
      %parallel_loop3A_120 = arith.constant 96 : i32
      %parallel_loop3A_121 = vector.broadcast %parallel_loop3A_120 : i32 to vector<16xi32>
      %parallel_loop3A_122 = arith.addi %iota3A, %parallel_loop3A_121 : vector<16xi32>
      %parallel_loop3A_123 = tpu.vector_load_idx %arg6[%parallel_loop3A_122, %parallel_loop3A_77] : memref<512x128xf32, #tpu.memory_space<vmem>>[vector<16xi32>, vector<16xi32>], vector<16xf32>,
      %parallel_loop3A_124 = arith.index_cast %parallel_loop3A_76 : i32 to index
      %parallel_loop3A_125 = arith.constant 96 : index
      %parallel_loop3A_126 = tpu.vector_load %arg7[%parallel_loop3A_124, %parallel_loop3A_125] {strides = array<i32>} : memref<64x512xf32, #tpu.memory_space<vmem>>, vector<16xf32>,
      tpu.vector_store %arg7[%parallel_loop3A_124, %parallel_loop3A_125], %parallel_loop3A_123 {strides = array<i32>} : memref<64x512xf32, #tpu.memory_space<vmem>>, vector<16xf32>,
      %parallel_loop3A_127 = arith.constant 112 : i32
      %parallel_loop3A_128 = vector.broadcast %parallel_loop3A_127 : i32 to vector<16xi32>
      %parallel_loop3A_129 = arith.addi %iota3A, %parallel_loop3A_128 : vector<16xi32>
      %parallel_loop3A_130 = tpu.vector_load_idx %arg6[%parallel_loop3A_129, %parallel_loop3A_77] : memref<512x128xf32, #tpu.memory_space<vmem>>[vector<16xi32>, vector<16xi32>], vector<16xf32>,
      %parallel_loop3A_131 = arith.index_cast %parallel_loop3A_76 : i32 to index
      %parallel_loop3A_132 = arith.constant 112 : index
      %parallel_loop3A_133 = tpu.vector_load %arg7[%parallel_loop3A_131, %parallel_loop3A_132] {strides = array<i32>} : memref<64x512xf32, #tpu.memory_space<vmem>>, vector<16xf32>,
      tpu.vector_store %arg7[%parallel_loop3A_131, %parallel_loop3A_132], %parallel_loop3A_130 {strides = array<i32>} : memref<64x512xf32, #tpu.memory_space<vmem>>, vector<16xf32>,
    } {sc.loop_unroll_factor = 4 : i64, sc.parallel_access}
    %dma_wait3A_43 = arith.constant 128 : i32
    %dma_wait3A_44 = arith.constant 0 : i32
    %dma_wait3A_45 = tpu.memref_slice %arg6[%dma_wait3A_43, %dma_wait3A_44] : memref<512x128xf32, #tpu.memory_space<vmem>> -> memref<128x128xf32, #tpu.memory_space<vmem>>
    %dma_wait3A_46 = arith.constant 128 : i32
    %dma_wait3A_47 = tpu.memref_slice %arg5[%dma_wait3A_46] : memref<512xi32, #tpu.memory_space<vmem>> -> memref<128xi32, #tpu.memory_space<vmem>>
    %dma_wait3A_48 = arith.constant 0 : i32
    %dma_wait3A_49 = arith.constant 0 : i32
    %dma_wait3A_50 = tpu.memref_slice %arg3[%dma_wait3A_48, %dma_wait3A_49] : memref<100000x128xf32, #tpu.memory_space<hbm>> -> memref<100000x128xf32, #tpu.memory_space<hbm>>
    tpu.wait_indirect_dma semaphore(%arg9 : memref<!tpu.dma_semaphore, #tpu.memory_space<semaphore_mem>>) src(%dma_wait3A_50 : memref<100000x128xf32, #tpu.memory_space<hbm>>) dst(%dma_wait3A_45 : memref<128x128xf32, #tpu.memory_space<vmem>>)
    %parallel_loop3A_51 = arith.constant 0 : i32
    %parallel_loop3A_52 = arith.constant 64 : i32
    %parallel_loop3A_53 = arith.constant 1 : i32
    scf.for %parallel_loop3A_76 = %parallel_loop3A_51 to %parallel_loop3A_52 step %parallel_loop3A_53  : i32 {
      %parallel_loop3A_77 = vector.broadcast %parallel_loop3A_76 : i32 to vector<16xi32>
      %parallel_loop3A_78 = arith.constant 128 : i32
      %parallel_loop3A_79 = vector.broadcast %parallel_loop3A_78 : i32 to vector<16xi32>
      %parallel_loop3A_80 = arith.addi %iota3A, %parallel_loop3A_79 : vector<16xi32>
      %parallel_loop3A_81 = tpu.vector_load_idx %arg6[%parallel_loop3A_80, %parallel_loop3A_77] : memref<512x128xf32, #tpu.memory_space<vmem>>[vector<16xi32>, vector<16xi32>], vector<16xf32>,
      %parallel_loop3A_82 = arith.index_cast %parallel_loop3A_76 : i32 to index
      %parallel_loop3A_83 = arith.constant 128 : index
      %parallel_loop3A_84 = tpu.vector_load %arg7[%parallel_loop3A_82, %parallel_loop3A_83] {strides = array<i32>} : memref<64x512xf32, #tpu.memory_space<vmem>>, vector<16xf32>,
      tpu.vector_store %arg7[%parallel_loop3A_82, %parallel_loop3A_83], %parallel_loop3A_81 {strides = array<i32>} : memref<64x512xf32, #tpu.memory_space<vmem>>, vector<16xf32>,
      %parallel_loop3A_85 = arith.constant 144 : i32
      %parallel_loop3A_86 = vector.broadcast %parallel_loop3A_85 : i32 to vector<16xi32>
      %parallel_loop3A_87 = arith.addi %iota3A, %parallel_loop3A_86 : vector<16xi32>
      %parallel_loop3A_88 = tpu.vector_load_idx %arg6[%parallel_loop3A_87, %parallel_loop3A_77] : memref<512x128xf32, #tpu.memory_space<vmem>>[vector<16xi32>, vector<16xi32>], vector<16xf32>,
      %parallel_loop3A_89 = arith.index_cast %parallel_loop3A_76 : i32 to index
      %parallel_loop3A_90 = arith.constant 144 : index
      %parallel_loop3A_91 = tpu.vector_load %arg7[%parallel_loop3A_89, %parallel_loop3A_90] {strides = array<i32>} : memref<64x512xf32, #tpu.memory_space<vmem>>, vector<16xf32>,
      tpu.vector_store %arg7[%parallel_loop3A_89, %parallel_loop3A_90], %parallel_loop3A_88 {strides = array<i32>} : memref<64x512xf32, #tpu.memory_space<vmem>>, vector<16xf32>,
      %parallel_loop3A_92 = arith.constant 160 : i32
      %parallel_loop3A_93 = vector.broadcast %parallel_loop3A_92 : i32 to vector<16xi32>
      %parallel_loop3A_94 = arith.addi %iota3A, %parallel_loop3A_93 : vector<16xi32>
      %parallel_loop3A_95 = tpu.vector_load_idx %arg6[%parallel_loop3A_94, %parallel_loop3A_77] : memref<512x128xf32, #tpu.memory_space<vmem>>[vector<16xi32>, vector<16xi32>], vector<16xf32>,
      %parallel_loop3A_96 = arith.index_cast %parallel_loop3A_76 : i32 to index
      %parallel_loop3A_97 = arith.constant 160 : index
      %parallel_loop3A_98 = tpu.vector_load %arg7[%parallel_loop3A_96, %parallel_loop3A_97] {strides = array<i32>} : memref<64x512xf32, #tpu.memory_space<vmem>>, vector<16xf32>,
      tpu.vector_store %arg7[%parallel_loop3A_96, %parallel_loop3A_97], %parallel_loop3A_95 {strides = array<i32>} : memref<64x512xf32, #tpu.memory_space<vmem>>, vector<16xf32>,
      %parallel_loop3A_99 = arith.constant 176 : i32
      %parallel_loop3A_100 = vector.broadcast %parallel_loop3A_99 : i32 to vector<16xi32>
      %parallel_loop3A_101 = arith.addi %iota3A, %parallel_loop3A_100 : vector<16xi32>
      %parallel_loop3A_102 = tpu.vector_load_idx %arg6[%parallel_loop3A_101, %parallel_loop3A_77] : memref<512x128xf32, #tpu.memory_space<vmem>>[vector<16xi32>, vector<16xi32>], vector<16xf32>,
      %parallel_loop3A_103 = arith.index_cast %parallel_loop3A_76 : i32 to index
      %parallel_loop3A_104 = arith.constant 176 : index
      %parallel_loop3A_105 = tpu.vector_load %arg7[%parallel_loop3A_103, %parallel_loop3A_104] {strides = array<i32>} : memref<64x512xf32, #tpu.memory_space<vmem>>, vector<16xf32>,
      tpu.vector_store %arg7[%parallel_loop3A_103, %parallel_loop3A_104], %parallel_loop3A_102 {strides = array<i32>} : memref<64x512xf32, #tpu.memory_space<vmem>>, vector<16xf32>,
      %parallel_loop3A_106 = arith.constant 192 : i32
      %parallel_loop3A_107 = vector.broadcast %parallel_loop3A_106 : i32 to vector<16xi32>
      %parallel_loop3A_108 = arith.addi %iota3A, %parallel_loop3A_107 : vector<16xi32>
      %parallel_loop3A_109 = tpu.vector_load_idx %arg6[%parallel_loop3A_108, %parallel_loop3A_77] : memref<512x128xf32, #tpu.memory_space<vmem>>[vector<16xi32>, vector<16xi32>], vector<16xf32>,
      %parallel_loop3A_110 = arith.index_cast %parallel_loop3A_76 : i32 to index
      %parallel_loop3A_111 = arith.constant 192 : index
      %parallel_loop3A_112 = tpu.vector_load %arg7[%parallel_loop3A_110, %parallel_loop3A_111] {strides = array<i32>} : memref<64x512xf32, #tpu.memory_space<vmem>>, vector<16xf32>,
      tpu.vector_store %arg7[%parallel_loop3A_110, %parallel_loop3A_111], %parallel_loop3A_109 {strides = array<i32>} : memref<64x512xf32, #tpu.memory_space<vmem>>, vector<16xf32>,
      %parallel_loop3A_113 = arith.constant 208 : i32
      %parallel_loop3A_114 = vector.broadcast %parallel_loop3A_113 : i32 to vector<16xi32>
      %parallel_loop3A_115 = arith.addi %iota3A, %parallel_loop3A_114 : vector<16xi32>
      %parallel_loop3A_116 = tpu.vector_load_idx %arg6[%parallel_loop3A_115, %parallel_loop3A_77] : memref<512x128xf32, #tpu.memory_space<vmem>>[vector<16xi32>, vector<16xi32>], vector<16xf32>,
      %parallel_loop3A_117 = arith.index_cast %parallel_loop3A_76 : i32 to index
      %parallel_loop3A_118 = arith.constant 208 : index
      %parallel_loop3A_119 = tpu.vector_load %arg7[%parallel_loop3A_117, %parallel_loop3A_118] {strides = array<i32>} : memref<64x512xf32, #tpu.memory_space<vmem>>, vector<16xf32>,
      tpu.vector_store %arg7[%parallel_loop3A_117, %parallel_loop3A_118], %parallel_loop3A_116 {strides = array<i32>} : memref<64x512xf32, #tpu.memory_space<vmem>>, vector<16xf32>,
      %parallel_loop3A_120 = arith.constant 224 : i32
      %parallel_loop3A_121 = vector.broadcast %parallel_loop3A_120 : i32 to vector<16xi32>
      %parallel_loop3A_122 = arith.addi %iota3A, %parallel_loop3A_121 : vector<16xi32>
      %parallel_loop3A_123 = tpu.vector_load_idx %arg6[%parallel_loop3A_122, %parallel_loop3A_77] : memref<512x128xf32, #tpu.memory_space<vmem>>[vector<16xi32>, vector<16xi32>], vector<16xf32>,
      %parallel_loop3A_124 = arith.index_cast %parallel_loop3A_76 : i32 to index
      %parallel_loop3A_125 = arith.constant 224 : index
      %parallel_loop3A_126 = tpu.vector_load %arg7[%parallel_loop3A_124, %parallel_loop3A_125] {strides = array<i32>} : memref<64x512xf32, #tpu.memory_space<vmem>>, vector<16xf32>,
      tpu.vector_store %arg7[%parallel_loop3A_124, %parallel_loop3A_125], %parallel_loop3A_123 {strides = array<i32>} : memref<64x512xf32, #tpu.memory_space<vmem>>, vector<16xf32>,
      %parallel_loop3A_127 = arith.constant 240 : i32
      %parallel_loop3A_128 = vector.broadcast %parallel_loop3A_127 : i32 to vector<16xi32>
      %parallel_loop3A_129 = arith.addi %iota3A, %parallel_loop3A_128 : vector<16xi32>
      %parallel_loop3A_130 = tpu.vector_load_idx %arg6[%parallel_loop3A_129, %parallel_loop3A_77] : memref<512x128xf32, #tpu.memory_space<vmem>>[vector<16xi32>, vector<16xi32>], vector<16xf32>,
      %parallel_loop3A_131 = arith.index_cast %parallel_loop3A_76 : i32 to index
      %parallel_loop3A_132 = arith.constant 240 : index
      %parallel_loop3A_133 = tpu.vector_load %arg7[%parallel_loop3A_131, %parallel_loop3A_132] {strides = array<i32>} : memref<64x512xf32, #tpu.memory_space<vmem>>, vector<16xf32>,
      tpu.vector_store %arg7[%parallel_loop3A_131, %parallel_loop3A_132], %parallel_loop3A_130 {strides = array<i32>} : memref<64x512xf32, #tpu.memory_space<vmem>>, vector<16xf32>,
    } {sc.loop_unroll_factor = 4 : i64, sc.parallel_access}
    %dma_wait3A_54 = arith.constant 256 : i32
    %dma_wait3A_55 = arith.constant 0 : i32
    %dma_wait3A_56 = tpu.memref_slice %arg6[%dma_wait3A_54, %dma_wait3A_55] : memref<512x128xf32, #tpu.memory_space<vmem>> -> memref<128x128xf32, #tpu.memory_space<vmem>>
    %dma_wait3A_57 = arith.constant 256 : i32
    %dma_wait3A_58 = tpu.memref_slice %arg5[%dma_wait3A_57] : memref<512xi32, #tpu.memory_space<vmem>> -> memref<128xi32, #tpu.memory_space<vmem>>
    %dma_wait3A_59 = arith.constant 0 : i32
    %dma_wait3A_60 = arith.constant 0 : i32
    %dma_wait3A_61 = tpu.memref_slice %arg3[%dma_wait3A_59, %dma_wait3A_60] : memref<100000x128xf32, #tpu.memory_space<hbm>> -> memref<100000x128xf32, #tpu.memory_space<hbm>>
    tpu.wait_indirect_dma semaphore(%arg10 : memref<!tpu.dma_semaphore, #tpu.memory_space<semaphore_mem>>) src(%dma_wait3A_61 : memref<100000x128xf32, #tpu.memory_space<hbm>>) dst(%dma_wait3A_56 : memref<128x128xf32, #tpu.memory_space<vmem>>)
    %parallel_loop3A_62 = arith.constant 0 : i32
    %parallel_loop3A_63 = arith.constant 64 : i32
    %parallel_loop3A_64 = arith.constant 1 : i32
    scf.for %parallel_loop3A_76 = %parallel_loop3A_62 to %parallel_loop3A_63 step %parallel_loop3A_64  : i32 {
      %parallel_loop3A_77 = vector.broadcast %parallel_loop3A_76 : i32 to vector<16xi32>
      %parallel_loop3A_78 = arith.constant 256 : i32
      %parallel_loop3A_79 = vector.broadcast %parallel_loop3A_78 : i32 to vector<16xi32>
      %parallel_loop3A_80 = arith.addi %iota3A, %parallel_loop3A_79 : vector<16xi32>
      %parallel_loop3A_81 = tpu.vector_load_idx %arg6[%parallel_loop3A_80, %parallel_loop3A_77] : memref<512x128xf32, #tpu.memory_space<vmem>>[vector<16xi32>, vector<16xi32>], vector<16xf32>,
      %parallel_loop3A_82 = arith.index_cast %parallel_loop3A_76 : i32 to index
      %parallel_loop3A_83 = arith.constant 256 : index
      %parallel_loop3A_84 = tpu.vector_load %arg7[%parallel_loop3A_82, %parallel_loop3A_83] {strides = array<i32>} : memref<64x512xf32, #tpu.memory_space<vmem>>, vector<16xf32>,
      tpu.vector_store %arg7[%parallel_loop3A_82, %parallel_loop3A_83], %parallel_loop3A_81 {strides = array<i32>} : memref<64x512xf32, #tpu.memory_space<vmem>>, vector<16xf32>,
      %parallel_loop3A_85 = arith.constant 272 : i32
      %parallel_loop3A_86 = vector.broadcast %parallel_loop3A_85 : i32 to vector<16xi32>
      %parallel_loop3A_87 = arith.addi %iota3A, %parallel_loop3A_86 : vector<16xi32>
      %parallel_loop3A_88 = tpu.vector_load_idx %arg6[%parallel_loop3A_87, %parallel_loop3A_77] : memref<512x128xf32, #tpu.memory_space<vmem>>[vector<16xi32>, vector<16xi32>], vector<16xf32>,
      %parallel_loop3A_89 = arith.index_cast %parallel_loop3A_76 : i32 to index
      %parallel_loop3A_90 = arith.constant 272 : index
      %parallel_loop3A_91 = tpu.vector_load %arg7[%parallel_loop3A_89, %parallel_loop3A_90] {strides = array<i32>} : memref<64x512xf32, #tpu.memory_space<vmem>>, vector<16xf32>,
      tpu.vector_store %arg7[%parallel_loop3A_89, %parallel_loop3A_90], %parallel_loop3A_88 {strides = array<i32>} : memref<64x512xf32, #tpu.memory_space<vmem>>, vector<16xf32>,
      %parallel_loop3A_92 = arith.constant 288 : i32
      %parallel_loop3A_93 = vector.broadcast %parallel_loop3A_92 : i32 to vector<16xi32>
      %parallel_loop3A_94 = arith.addi %iota3A, %parallel_loop3A_93 : vector<16xi32>
      %parallel_loop3A_95 = tpu.vector_load_idx %arg6[%parallel_loop3A_94, %parallel_loop3A_77] : memref<512x128xf32, #tpu.memory_space<vmem>>[vector<16xi32>, vector<16xi32>], vector<16xf32>,
      %parallel_loop3A_96 = arith.index_cast %parallel_loop3A_76 : i32 to index
      %parallel_loop3A_97 = arith.constant 288 : index
      %parallel_loop3A_98 = tpu.vector_load %arg7[%parallel_loop3A_96, %parallel_loop3A_97] {strides = array<i32>} : memref<64x512xf32, #tpu.memory_space<vmem>>, vector<16xf32>,
      tpu.vector_store %arg7[%parallel_loop3A_96, %parallel_loop3A_97], %parallel_loop3A_95 {strides = array<i32>} : memref<64x512xf32, #tpu.memory_space<vmem>>, vector<16xf32>,
      %parallel_loop3A_99 = arith.constant 304 : i32
      %parallel_loop3A_100 = vector.broadcast %parallel_loop3A_99 : i32 to vector<16xi32>
      %parallel_loop3A_101 = arith.addi %iota3A, %parallel_loop3A_100 : vector<16xi32>
      %parallel_loop3A_102 = tpu.vector_load_idx %arg6[%parallel_loop3A_101, %parallel_loop3A_77] : memref<512x128xf32, #tpu.memory_space<vmem>>[vector<16xi32>, vector<16xi32>], vector<16xf32>,
      %parallel_loop3A_103 = arith.index_cast %parallel_loop3A_76 : i32 to index
      %parallel_loop3A_104 = arith.constant 304 : index
      %parallel_loop3A_105 = tpu.vector_load %arg7[%parallel_loop3A_103, %parallel_loop3A_104] {strides = array<i32>} : memref<64x512xf32, #tpu.memory_space<vmem>>, vector<16xf32>,
      tpu.vector_store %arg7[%parallel_loop3A_103, %parallel_loop3A_104], %parallel_loop3A_102 {strides = array<i32>} : memref<64x512xf32, #tpu.memory_space<vmem>>, vector<16xf32>,
      %parallel_loop3A_106 = arith.constant 320 : i32
      %parallel_loop3A_107 = vector.broadcast %parallel_loop3A_106 : i32 to vector<16xi32>
      %parallel_loop3A_108 = arith.addi %iota3A, %parallel_loop3A_107 : vector<16xi32>
      %parallel_loop3A_109 = tpu.vector_load_idx %arg6[%parallel_loop3A_108, %parallel_loop3A_77] : memref<512x128xf32, #tpu.memory_space<vmem>>[vector<16xi32>, vector<16xi32>], vector<16xf32>,
      %parallel_loop3A_110 = arith.index_cast %parallel_loop3A_76 : i32 to index
      %parallel_loop3A_111 = arith.constant 320 : index
      %parallel_loop3A_112 = tpu.vector_load %arg7[%parallel_loop3A_110, %parallel_loop3A_111] {strides = array<i32>} : memref<64x512xf32, #tpu.memory_space<vmem>>, vector<16xf32>,
      tpu.vector_store %arg7[%parallel_loop3A_110, %parallel_loop3A_111], %parallel_loop3A_109 {strides = array<i32>} : memref<64x512xf32, #tpu.memory_space<vmem>>, vector<16xf32>,
      %parallel_loop3A_113 = arith.constant 336 : i32
      %parallel_loop3A_114 = vector.broadcast %parallel_loop3A_113 : i32 to vector<16xi32>
      %parallel_loop3A_115 = arith.addi %iota3A, %parallel_loop3A_114 : vector<16xi32>
      %parallel_loop3A_116 = tpu.vector_load_idx %arg6[%parallel_loop3A_115, %parallel_loop3A_77] : memref<512x128xf32, #tpu.memory_space<vmem>>[vector<16xi32>, vector<16xi32>], vector<16xf32>,
      %parallel_loop3A_117 = arith.index_cast %parallel_loop3A_76 : i32 to index
      %parallel_loop3A_118 = arith.constant 336 : index
      %parallel_loop3A_119 = tpu.vector_load %arg7[%parallel_loop3A_117, %parallel_loop3A_118] {strides = array<i32>} : memref<64x512xf32, #tpu.memory_space<vmem>>, vector<16xf32>,
      tpu.vector_store %arg7[%parallel_loop3A_117, %parallel_loop3A_118], %parallel_loop3A_116 {strides = array<i32>} : memref<64x512xf32, #tpu.memory_space<vmem>>, vector<16xf32>,
      %parallel_loop3A_120 = arith.constant 352 : i32
      %parallel_loop3A_121 = vector.broadcast %parallel_loop3A_120 : i32 to vector<16xi32>
      %parallel_loop3A_122 = arith.addi %iota3A, %parallel_loop3A_121 : vector<16xi32>
      %parallel_loop3A_123 = tpu.vector_load_idx %arg6[%parallel_loop3A_122, %parallel_loop3A_77] : memref<512x128xf32, #tpu.memory_space<vmem>>[vector<16xi32>, vector<16xi32>], vector<16xf32>,
      %parallel_loop3A_124 = arith.index_cast %parallel_loop3A_76 : i32 to index
      %parallel_loop3A_125 = arith.constant 352 : index
      %parallel_loop3A_126 = tpu.vector_load %arg7[%parallel_loop3A_124, %parallel_loop3A_125] {strides = array<i32>} : memref<64x512xf32, #tpu.memory_space<vmem>>, vector<16xf32>,
      tpu.vector_store %arg7[%parallel_loop3A_124, %parallel_loop3A_125], %parallel_loop3A_123 {strides = array<i32>} : memref<64x512xf32, #tpu.memory_space<vmem>>, vector<16xf32>,
      %parallel_loop3A_127 = arith.constant 368 : i32
      %parallel_loop3A_128 = vector.broadcast %parallel_loop3A_127 : i32 to vector<16xi32>
      %parallel_loop3A_129 = arith.addi %iota3A, %parallel_loop3A_128 : vector<16xi32>
      %parallel_loop3A_130 = tpu.vector_load_idx %arg6[%parallel_loop3A_129, %parallel_loop3A_77] : memref<512x128xf32, #tpu.memory_space<vmem>>[vector<16xi32>, vector<16xi32>], vector<16xf32>,
      %parallel_loop3A_131 = arith.index_cast %parallel_loop3A_76 : i32 to index
      %parallel_loop3A_132 = arith.constant 368 : index
      %parallel_loop3A_133 = tpu.vector_load %arg7[%parallel_loop3A_131, %parallel_loop3A_132] {strides = array<i32>} : memref<64x512xf32, #tpu.memory_space<vmem>>, vector<16xf32>,
      tpu.vector_store %arg7[%parallel_loop3A_131, %parallel_loop3A_132], %parallel_loop3A_130 {strides = array<i32>} : memref<64x512xf32, #tpu.memory_space<vmem>>, vector<16xf32>,
    } {sc.loop_unroll_factor = 4 : i64, sc.parallel_access}
    %dma_wait3A_65 = arith.constant 384 : i32
    %dma_wait3A_66 = arith.constant 0 : i32
    %dma_wait3A_67 = tpu.memref_slice %arg6[%dma_wait3A_65, %dma_wait3A_66] : memref<512x128xf32, #tpu.memory_space<vmem>> -> memref<128x128xf32, #tpu.memory_space<vmem>>
    %dma_wait3A_68 = arith.constant 384 : i32
    %dma_wait3A_69 = tpu.memref_slice %arg5[%dma_wait3A_68] : memref<512xi32, #tpu.memory_space<vmem>> -> memref<128xi32, #tpu.memory_space<vmem>>
    %dma_wait3A_70 = arith.constant 0 : i32
    %dma_wait3A_71 = arith.constant 0 : i32
    %dma_wait3A_72 = tpu.memref_slice %arg3[%dma_wait3A_70, %dma_wait3A_71] : memref<100000x128xf32, #tpu.memory_space<hbm>> -> memref<100000x128xf32, #tpu.memory_space<hbm>>
    tpu.wait_indirect_dma semaphore(%arg11 : memref<!tpu.dma_semaphore, #tpu.memory_space<semaphore_mem>>) src(%dma_wait3A_72 : memref<100000x128xf32, #tpu.memory_space<hbm>>) dst(%dma_wait3A_67 : memref<128x128xf32, #tpu.memory_space<vmem>>)
    %parallel_loop3A_73 = arith.constant 0 : i32
    %parallel_loop3A_74 = arith.constant 64 : i32
    %parallel_loop3A_75 = arith.constant 1 : i32
    scf.for %parallel_loop3A_76 = %parallel_loop3A_73 to %parallel_loop3A_74 step %parallel_loop3A_75  : i32 {
      %parallel_loop3A_77 = vector.broadcast %parallel_loop3A_76 : i32 to vector<16xi32>
      %parallel_loop3A_78 = arith.constant 384 : i32
      %parallel_loop3A_79 = vector.broadcast %parallel_loop3A_78 : i32 to vector<16xi32>
      %parallel_loop3A_80 = arith.addi %iota3A, %parallel_loop3A_79 : vector<16xi32>
      %parallel_loop3A_81 = tpu.vector_load_idx %arg6[%parallel_loop3A_80, %parallel_loop3A_77] : memref<512x128xf32, #tpu.memory_space<vmem>>[vector<16xi32>, vector<16xi32>], vector<16xf32>,
      %parallel_loop3A_82 = arith.index_cast %parallel_loop3A_76 : i32 to index
      %parallel_loop3A_83 = arith.constant 384 : index
      %parallel_loop3A_84 = tpu.vector_load %arg7[%parallel_loop3A_82, %parallel_loop3A_83] {strides = array<i32>} : memref<64x512xf32, #tpu.memory_space<vmem>>, vector<16xf32>,
      tpu.vector_store %arg7[%parallel_loop3A_82, %parallel_loop3A_83], %parallel_loop3A_81 {strides = array<i32>} : memref<64x512xf32, #tpu.memory_space<vmem>>, vector<16xf32>,
      %parallel_loop3A_85 = arith.constant 400 : i32
      %parallel_loop3A_86 = vector.broadcast %parallel_loop3A_85 : i32 to vector<16xi32>
      %parallel_loop3A_87 = arith.addi %iota3A, %parallel_loop3A_86 : vector<16xi32>
      %parallel_loop3A_88 = tpu.vector_load_idx %arg6[%parallel_loop3A_87, %parallel_loop3A_77] : memref<512x128xf32, #tpu.memory_space<vmem>>[vector<16xi32>, vector<16xi32>], vector<16xf32>,
      %parallel_loop3A_89 = arith.index_cast %parallel_loop3A_76 : i32 to index
      %parallel_loop3A_90 = arith.constant 400 : index
      %parallel_loop3A_91 = tpu.vector_load %arg7[%parallel_loop3A_89, %parallel_loop3A_90] {strides = array<i32>} : memref<64x512xf32, #tpu.memory_space<vmem>>, vector<16xf32>,
      tpu.vector_store %arg7[%parallel_loop3A_89, %parallel_loop3A_90], %parallel_loop3A_88 {strides = array<i32>} : memref<64x512xf32, #tpu.memory_space<vmem>>, vector<16xf32>,
      %parallel_loop3A_92 = arith.constant 416 : i32
      %parallel_loop3A_93 = vector.broadcast %parallel_loop3A_92 : i32 to vector<16xi32>
      %parallel_loop3A_94 = arith.addi %iota3A, %parallel_loop3A_93 : vector<16xi32>
      %parallel_loop3A_95 = tpu.vector_load_idx %arg6[%parallel_loop3A_94, %parallel_loop3A_77] : memref<512x128xf32, #tpu.memory_space<vmem>>[vector<16xi32>, vector<16xi32>], vector<16xf32>,
      %parallel_loop3A_96 = arith.index_cast %parallel_loop3A_76 : i32 to index
      %parallel_loop3A_97 = arith.constant 416 : index
      %parallel_loop3A_98 = tpu.vector_load %arg7[%parallel_loop3A_96, %parallel_loop3A_97] {strides = array<i32>} : memref<64x512xf32, #tpu.memory_space<vmem>>, vector<16xf32>,
      tpu.vector_store %arg7[%parallel_loop3A_96, %parallel_loop3A_97], %parallel_loop3A_95 {strides = array<i32>} : memref<64x512xf32, #tpu.memory_space<vmem>>, vector<16xf32>,
      %parallel_loop3A_99 = arith.constant 432 : i32
      %parallel_loop3A_100 = vector.broadcast %parallel_loop3A_99 : i32 to vector<16xi32>
      %parallel_loop3A_101 = arith.addi %iota3A, %parallel_loop3A_100 : vector<16xi32>
      %parallel_loop3A_102 = tpu.vector_load_idx %arg6[%parallel_loop3A_101, %parallel_loop3A_77] : memref<512x128xf32, #tpu.memory_space<vmem>>[vector<16xi32>, vector<16xi32>], vector<16xf32>,
      %parallel_loop3A_103 = arith.index_cast %parallel_loop3A_76 : i32 to index
      %parallel_loop3A_104 = arith.constant 432 : index
      %parallel_loop3A_105 = tpu.vector_load %arg7[%parallel_loop3A_103, %parallel_loop3A_104] {strides = array<i32>} : memref<64x512xf32, #tpu.memory_space<vmem>>, vector<16xf32>,
      tpu.vector_store %arg7[%parallel_loop3A_103, %parallel_loop3A_104], %parallel_loop3A_102 {strides = array<i32>} : memref<64x512xf32, #tpu.memory_space<vmem>>, vector<16xf32>,
      %parallel_loop3A_106 = arith.constant 448 : i32
      %parallel_loop3A_107 = vector.broadcast %parallel_loop3A_106 : i32 to vector<16xi32>
      %parallel_loop3A_108 = arith.addi %iota3A, %parallel_loop3A_107 : vector<16xi32>
      %parallel_loop3A_109 = tpu.vector_load_idx %arg6[%parallel_loop3A_108, %parallel_loop3A_77] : memref<512x128xf32, #tpu.memory_space<vmem>>[vector<16xi32>, vector<16xi32>], vector<16xf32>,
      %parallel_loop3A_110 = arith.index_cast %parallel_loop3A_76 : i32 to index
      %parallel_loop3A_111 = arith.constant 448 : index
      %parallel_loop3A_112 = tpu.vector_load %arg7[%parallel_loop3A_110, %parallel_loop3A_111] {strides = array<i32>} : memref<64x512xf32, #tpu.memory_space<vmem>>, vector<16xf32>,
      tpu.vector_store %arg7[%parallel_loop3A_110, %parallel_loop3A_111], %parallel_loop3A_109 {strides = array<i32>} : memref<64x512xf32, #tpu.memory_space<vmem>>, vector<16xf32>,
      %parallel_loop3A_113 = arith.constant 464 : i32
      %parallel_loop3A_114 = vector.broadcast %parallel_loop3A_113 : i32 to vector<16xi32>
      %parallel_loop3A_115 = arith.addi %iota3A, %parallel_loop3A_114 : vector<16xi32>
      %parallel_loop3A_116 = tpu.vector_load_idx %arg6[%parallel_loop3A_115, %parallel_loop3A_77] : memref<512x128xf32, #tpu.memory_space<vmem>>[vector<16xi32>, vector<16xi32>], vector<16xf32>,
      %parallel_loop3A_117 = arith.index_cast %parallel_loop3A_76 : i32 to index
      %parallel_loop3A_118 = arith.constant 464 : index
      %parallel_loop3A_119 = tpu.vector_load %arg7[%parallel_loop3A_117, %parallel_loop3A_118] {strides = array<i32>} : memref<64x512xf32, #tpu.memory_space<vmem>>, vector<16xf32>,
      tpu.vector_store %arg7[%parallel_loop3A_117, %parallel_loop3A_118], %parallel_loop3A_116 {strides = array<i32>} : memref<64x512xf32, #tpu.memory_space<vmem>>, vector<16xf32>,
      %parallel_loop3A_120 = arith.constant 480 : i32
      %parallel_loop3A_121 = vector.broadcast %parallel_loop3A_120 : i32 to vector<16xi32>
      %parallel_loop3A_122 = arith.addi %iota3A, %parallel_loop3A_121 : vector<16xi32>
      %parallel_loop3A_123 = tpu.vector_load_idx %arg6[%parallel_loop3A_122, %parallel_loop3A_77] : memref<512x128xf32, #tpu.memory_space<vmem>>[vector<16xi32>, vector<16xi32>], vector<16xf32>,
      %parallel_loop3A_124 = arith.index_cast %parallel_loop3A_76 : i32 to index
      %parallel_loop3A_125 = arith.constant 480 : index
      %parallel_loop3A_126 = tpu.vector_load %arg7[%parallel_loop3A_124, %parallel_loop3A_125] {strides = array<i32>} : memref<64x512xf32, #tpu.memory_space<vmem>>, vector<16xf32>,
      tpu.vector_store %arg7[%parallel_loop3A_124, %parallel_loop3A_125], %parallel_loop3A_123 {strides = array<i32>} : memref<64x512xf32, #tpu.memory_space<vmem>>, vector<16xf32>,
      %parallel_loop3A_127 = arith.constant 496 : i32
      %parallel_loop3A_128 = vector.broadcast %parallel_loop3A_127 : i32 to vector<16xi32>
      %parallel_loop3A_129 = arith.addi %iota3A, %parallel_loop3A_128 : vector<16xi32>
      %parallel_loop3A_130 = tpu.vector_load_idx %arg6[%parallel_loop3A_129, %parallel_loop3A_77] : memref<512x128xf32, #tpu.memory_space<vmem>>[vector<16xi32>, vector<16xi32>], vector<16xf32>,
      %parallel_loop3A_131 = arith.index_cast %parallel_loop3A_76 : i32 to index
      %parallel_loop3A_132 = arith.constant 496 : index
      %parallel_loop3A_133 = tpu.vector_load %arg7[%parallel_loop3A_131, %parallel_loop3A_132] {strides = array<i32>} : memref<64x512xf32, #tpu.memory_space<vmem>>, vector<16xf32>,
      tpu.vector_store %arg7[%parallel_loop3A_131, %parallel_loop3A_132], %parallel_loop3A_130 {strides = array<i32>} : memref<64x512xf32, #tpu.memory_space<vmem>>, vector<16xf32>,
    } {sc.loop_unroll_factor = 4 : i64, sc.parallel_access}
    "tpu.region"() ({
      %run_scoped3A = tpu.sem_alloc : memref<!tpu.dma_semaphore, #tpu.memory_space<semaphore_mem>>
      %dma_start3A_76 = arith.constant 0 : i32
      %dma_start3A_77 = tpu.memref_slice %arg4[%dma_start3A_76, %mul3A_2] : memref<64x16384xf32, #tpu.memory_space<hbm>> -> memref<64x512xf32, #tpu.memory_space<hbm>>
      %dma_start3A_78 = arith.constant 0 : i32
      %dma_start3A_79 = tpu.memref_slice %arg4[%dma_start3A_78, %mul3A_2] : memref<64x16384xf32, #tpu.memory_space<hbm>> -> memref<64x512xf32, #tpu.memory_space<hbm>>
      tpu.enqueue_dma source(%arg7 : memref<64x512xf32, #tpu.memory_space<vmem>>) target(%dma_start3A_79 : memref<64x512xf32, #tpu.memory_space<hbm>>) target_semaphore(%run_scoped3A : memref<!tpu.dma_semaphore, #tpu.memory_space<semaphore_mem>>)
      %dma_wait3A_80 = arith.constant 0 : i32
      %dma_wait3A_81 = tpu.memref_slice %arg4[%dma_wait3A_80, %mul3A_2] : memref<64x16384xf32, #tpu.memory_space<hbm>> -> memref<64x512xf32, #tpu.memory_space<hbm>>
      %dma_wait3A_82 = arith.constant 0 : i32
      %dma_wait3A_83 = tpu.memref_slice %arg4[%dma_wait3A_82, %mul3A_2] : memref<64x16384xf32, #tpu.memory_space<hbm>> -> memref<64x512xf32, #tpu.memory_space<hbm>>
      tpu.wait_dma2 semaphore(%run_scoped3A : memref<!tpu.dma_semaphore, #tpu.memory_space<semaphore_mem>>) src(%arg7 : memref<64x512xf32, #tpu.memory_space<vmem>>) dst(%dma_wait3A_83 : memref<64x512xf32, #tpu.memory_space<hbm>>)
      tpu.yield
    }) : () -> ()
    return
  }
}

</mosaic_0001>

<sc_bundles>
// kernel: kernel.3.cloned.1.call-start
scs
__scs_entry_jumppad:
0x0: {  	(pc) =	sbr.rel $0x88, $3  }
0x1: {  	(tag) =	ssettag $0x0;
	lr =	simm.s32 $0x1  }
0x2: {  	[smem:$0x3F9F] =	sst lr;
	_ =	strace $0xD0000000  }
0x3: {  	_ = 	snop  }
0x4: {  	_ = 	snop  }
0x5: {  	_ = 	snop  }
0x6: {  	_ = 	snop  }
0x7: {  	_ = 	snop  }
__scs_overlays_trampoline_lowered:
0x8: {  	[smem:$0x3FAE] =	sst s0  }
0x9: {  	[smem:$0x3FAF] =	sst s1  }
0xa: {  	[smem:$0x3FB0] =	sst s2  }
0xb: {  	[smem:$0x3FB1] =	sst s3  }
0xc: {  	[smem:$0x3FB2] =	sst s4  }
0xd: {  	[smem:$0x3FB3] =	sst s5  }
0xe: {  	[smem:$0x3FB4] =	sst s6  }
0xf: {  	[smem:$0x3FB5] =	sst s7  }
0x10: {  	[smem:$0x3FB6] =	sst s8  }
0x11: {  	[smem:$0x3FB7] =	sst s9;
	s0 =	simm.s32 @!p0 $0x0  }
0x12: {  	s1 =	sld [smem:$0x3F9D];
	s0 =	simm.s32 @p0 $0x1  }
0x13: {  	[smem:$0x3FB8] =	sst s0;
	s0 =	simm.s32 @!p1 $0x0  }
0x14: {  	s2 =	sld [smem:$0x3F9C];
	s0 =	simm.s32 @p1 $0x1  }
0x15: {  	[smem:$0x3FB9] =	sst s0;
	s0 =	simm.s32 @!p2 $0x0  }
0x16: {  	s3 =	sld [smem:$0x3FDB];
	s0 =	simm.s32 @p2 $0x1  }
0x17: {  	s4 =	simm.s32 $0x1BF5;
	[smem:$0x3FBB] =	sst s0  }
0x18: {  	s0 =	sld [smem:$0x3F9E];
	_ =	swait.ge [sflag:s4], $0x0  }
0x19: {  	s7 =	sld [smem:$0x3F9F]  }
0x1a: {  	s8 =	sadd.s32 $0xFFFFE003, lr  }
0x1b: {  	s9 =	sadd.s32 $0xFFFFFEF7, lr;
	s5 =	simm.s32 $0xFFFFFFFF;
	p2 =	slt.u32 s8, $0xFFFFF086  }
0x1c: {  	p1 =	slt.u32 s9, $0xF7A;
	s5 =	simm.s32 @!p2 $0x0  }
0x1d: {  	s5 =	simm.s32 @p1 $0x1;
	p0 =	seq.s32 s7, s2  }
0x1e: {  	s7 =	smul.u32 @!p0 $0xF7A, s2;
	p2 =	seq.s32 @!p0 s5, $0x0  }
0x1f: {  	s9 =	smul.u32 $0xF7A, s1;
	s8 =	simm.s32 @!p0 $0x1BF5;
	p2 =	por !p2, p0  }
0x20: {  	[sflag:s8] =	ssyncset.s32 @!p0 $0xFFFFF086;
	s6 =	sadd.s32 @!p0 s3, s7;
	s7 =	simm.s32 @!p0 $0x108  }
0x21: {  	s3 =	sadd.s32 s3, s9;
	s6 =	sadd.s32 @!p0 $0x88, s6;
	s7 =	simm.s32 @p2 $0x1082  }
0x22: {  	[simem:s7], [sflag:s8] =	dma.local @!p0 [hbm:s6], $0xF7A  }
0x23: {  	s9 =	sor.u32 $0xD0000000, s2;
	s6 =	simm.s32 $0x108;
	_ =	swait.ge @!p0 [sflag:s8], $0x0  }
0x24: {  	s3 =	sadd.s32 $0x88, s3;
	s6 =	simm.s32 @!p1 $0x1082;
	[sflag:s4] =	ssyncset.s32 $0xFFFFF086  }
0x25: {  	[simem:s6], [sflag:s4] =	dma.local [hbm:s3], $0xF7A  }
0x26: {  	[smem:$0x3F9F] =	sst s1;
	(tag) =	ssettag s2;
	_ =	strace s9  }
0x27: {  	s1 =	sld [smem:$0x3FAF]  }
0x28: {  	s2 =	sld [smem:$0x3FB0]  }
0x29: {  	s4 =	sld [smem:$0x3FB2]  }
0x2a: {  	p0 =	seq.s32 s5, $0x0;
	s5 =	sld [smem:$0x3FB3]  }
0x2b: {  	s6 =	sld [smem:$0x3FB4]  }
0x2c: {  	s7 =	sld [smem:$0x3FB5]  }
0x2d: {  	s3 =	simm.s32 $0x108;
	s8 =	sld [smem:$0x3FB6]  }
0x2e: {  	s3 =	simm.s32 @!p0 $0x1082;
	s9 =	sld [smem:$0x3FB7]  }
0x2f: {  	lr =	sadd.s32 s0, s3;
	s0 =	sld [smem:$0x3FAE]  }
0x30: {  	s3 =	sld [smem:$0x3FB1]  }
0x31: {  	[smem:$0x3FBA] =	sst s10  }
0x32: {  	s10 =	sld [smem:$0x3FB8];
	_ =	sdelay $0x3  }
0x33: {  	p0 =	seq.s32 s10, $0x1;
	s10 =	sld [smem:$0x3FBA];
	_ =	sdelay $0x3  }
0x34: {  	[smem:$0x3FBA] =	sst s10  }
0x35: {  	s10 =	sld [smem:$0x3FB9];
	_ =	sdelay $0x3  }
0x36: {  	p1 =	seq.s32 s10, $0x1;
	s10 =	sld [smem:$0x3FBA];
	_ =	sdelay $0x3  }
0x37: {  	[smem:$0x3FBA] =	sst s10  }
0x38: {  	s10 =	sld [smem:$0x3FBB]  }
0x39: {  	_ = 	snop;
	(pc) =	sbr.ind lr, $3  }
0x3a: {  	_ = 	snop  }
0x3b: {  	_ = 	snop  }
0x3c: {  	p2 =	seq.s32 s10, $0x1;
	s10 =	sld [smem:$0x3FBA]  }
0x3d: {  	_ =	shalt  }
0x3e: {  	_ =	shalt  }
0x3f: {  	_ =	shalt  }
0x40: {  	_ =	shalt  }
0x41: {  	_ =	shalt  }
0x42: {  	_ =	shalt  }
0x43: {  	_ =	shalt  }
0x44: {  	_ =	shalt  }
0x45: {  	_ =	shalt  }
0x46: {  	_ =	shalt  }
0x47: {  	_ =	shalt  }
0x48: {  	_ =	shalt  }
0x49: {  	_ =	shalt  }
0x4a: {  	_ =	shalt  }
0x4b: {  	_ =	shalt  }
0x4c: {  	_ =	shalt  }
0x4d: {  	_ =	shalt  }
0x4e: {  	_ =	shalt  }
0x4f: {  	_ =	shalt  }
0x50: {  	_ =	shalt  }
0x51: {  	_ =	shalt  }
0x52: {  	_ =	shalt  }
0x53: {  	_ =	shalt  }
0x54: {  	_ =	shalt  }
0x55: {  	_ =	shalt  }
0x56: {  	_ =	shalt  }
0x57: {  	_ =	shalt  }
0x58: {  	_ =	shalt  }
0x59: {  	_ =	shalt  }
0x5a: {  	_ =	shalt  }
0x5b: {  	_ =	shalt  }
0x5c: {  	_ =	shalt  }
0x5d: {  	_ =	shalt  }
0x5e: {  	_ =	shalt  }
0x5f: {  	_ =	shalt  }
0x60: {  	_ =	shalt  }
0x61: {  	_ =	shalt  }
0x62: {  	_ =	shalt  }
0x63: {  	_ =	shalt  }
0x64: {  	_ =	shalt  }
0x65: {  	_ =	shalt  }
0x66: {  	_ =	shalt  }
0x67: {  	_ =	shalt  }
0x68: {  	_ =	shalt  }
0x69: {  	_ =	shalt  }
0x6a: {  	_ =	shalt  }
0x6b: {  	_ =	shalt  }
0x6c: {  	_ =	shalt  }
0x6d: {  	_ =	shalt  }
0x6e: {  	_ =	shalt  }
0x6f: {  	_ =	shalt  }
0x70: {  	_ =	shalt  }
0x71: {  	_ =	shalt  }
0x72: {  	_ =	shalt  }
0x73: {  	_ =	shalt  }
0x74: {  	_ =	shalt  }
0x75: {  	_ =	shalt  }
0x76: {  	_ =	shalt  }
0x77: {  	_ =	shalt  }
0x78: {  	_ =	shalt  }
0x79: {  	_ =	shalt  }
0x7a: {  	_ =	shalt  }
0x7b: {  	_ =	shalt  }
0x7c: {  	_ =	shalt  }
0x7d: {  	_ =	shalt  }
0x7e: {  	_ =	shalt  }
0x7f: {  	_ =	shalt  }
0x80: {  	_ =	shalt  }
0x81: {  	_ =	shalt  }
0x82: {  	_ =	shalt  }
0x83: {  	_ =	shalt  }
0x84: {  	_ =	shalt  }
0x85: {  	_ =	shalt  }
0x86: {  	_ =	shalt  }
0x87: {  	_ =	shalt  }
.Lfunc_end0:
.L_simem_size_0:
called_computation_lowered:
.L_overlay_start_0:
0x88: {  	s2 =	sld [smem:$0x3FD9]  }
0x89: {  	s3 =	sld [smem:$0x3FFE];
	_ =	sdelay $0x1  }
0x8a: {  	s1 =	srdreg.scid  }
0x8b: {  	s0 =	sand.u32 $0x1, s1  }
0x8c: {  	s17 =	sshll.u32 s0, $0xA;
	s2 =	sadd.s32 s3, s2  }
0x8d: {  	s2 =	sadd.s32 s2, s17  }
0x8e: {  	[smem:$0x3FC6] =	sst s2  }
0x8f: {  	_ = 	snop  }
0x90: {  	s2 =	sld [smem:$0x3FC9]  }
0x91: {  	s18 =	sld [smem:$0x3FD0];
	(tm) =	ssettm $0x1  }
0x92: {  	s4 =	sld [smem:$0x3FFB];
	_ =	sdelay $0x3  }
0x93: {  	_ =	strace s4  }
0x94: {  	s4 =	sld [smem:$0x3FFC];
	_ =	sdelay $0x3  }
0x95: {  	_ =	strace s4  }
0x96: {  	s4 =	sld [smem:$0x3FFD];
	_ =	sdelay $0x3  }
0x97: {  	_ =	strace s4  }
0x98: {  	_ =	strace $0x8FFFFFFF  }
0x99: {  	s19 =	sld [smem:$0x3FDB];
	_ =	sdelay $0x1  }
0x9a: {  	s5 =	simm.s32 $_scs_section_size  }
0x9b: {  	s6 =	simm.s32 $_size__tile_overlayer_lowered;
	s7 =	simm.s32 $_tile_overlayer_lowered  }
0x9c: {  	s22 =	simm.s32 $0x1BFF;
	s21 =	sshll.u32 s7, $0x1;
	s4 =	sadd.s32 s5, s19  }
0x9d: {  	s8 =	simm.s32 $0x0;
	s20 =	sshll.u32 s6, $0x1;
	s6 =	sadd.s32 s21, s4  }
0x9e: {  	[timem:s8], [sflag:s22] =	dma.local [hbm:s6], s20  }
0x9f: {  	_ =	swait.ge [sflag:s22], s20  }
0xa0: {  	s5 =	ssub.s32 $0x0, s20;
	[sflag:s22] =	ssyncset.done $0x0  }
0xa1: {  	[sflag:s22] =	ssyncadd.s32 s5;
	_ =	sdelay $0x1  }
0xa2: {  	s23 =	simm.s32 $0x1B8B  }
0xa3: {  	_ =	swait.ge [sflag:s23], $0x1  }
0xa4: {  	[sflag:s23] =	ssyncset.done $0x0  }
0xa5: {  	s25 =	simm.s32 $0x1B8E;
	s24 =	sld [smem:$0x3FFE];
	[sflag:s23] =	ssyncadd.s32 $0xFFFFFFFF  }
0xa6: {  	s26 =	simm.s32 $execute0_lowered;
	[smem:$0x3FD2] =	sst s25  }
0xa7: {  	s6 =	sshll.u32 s26, $0x1;
	_ =	strace $0x80000046;
	[dreg:$0x1] =	wrdreg $0xFFFFFFFF  }
0xa8: {  	s28 =	simm.s32 $_size_execute0_lowered;
	s4 =	sadd.s32 s4, s6;
	[dreg:$0x0] =	wrdreg $0x0  }
0xa9: {  	s6 =	sshll.u32 s28, $0x1;
	[dreg:$0x2] =	wrdreg s4  }
0xaa: {  	[dreg:$0x3] =	wrdreg s6  }
0xab: {  	[dreg:$0x4] =	wrdreg $0xC0  }
0xac: {  	_ =	task [dreg:s8], $0x5FFFF  }
0xad: {  	[dreg:$0x1] =	wrdreg $0xFFFFFFFF  }
0xae: {  	[dreg:$0x0] =	wrdreg $0x60  }
0xaf: {  	[dreg:$0x2] =	wrdreg s2  }
0xb0: {  	[dreg:$0x3] =	wrdreg s24  }
0xb1: {  	[dreg:$0x4] =	wrdreg s18  }
0xb2: {  	[dreg:$0x5] =	wrdreg $0x9  }
0xb3: {  	_ =	task.clear_ibuf [dreg:s8], $0x6FFFF;
	_ =	strace $0x90000046  }
0xb4: {  	s29 =	simm.s32 $0x9;
	_ =	strace $0x80000048  }
0xb5: {  	_ =	swait.ge [sflag:s29], $0x1  }
0xb6: {  	[sflag:s29] =	ssyncadd.s32 $0xFFFFFFFF  }
0xb7: {  	_ =	strace $0x90000048  }
0xb8: {  	_ =	sfence  }
0xb9: {  	s30 =	sld [smem:$0x0];
	_ =	sdelay $0x2  }
0xba: {  	s31 =	sshll.u32 s1, $0xD;
	s1 =	sshrl.u32 s1, $0x2  }
0xbb: {  	s3 =	sand.u32 $0x4000, s31;
	s1 =	sadd.s32 s1, s30  }
0xbc: {  	s0 =	sor.u32 s3, s0;
	s1 =	sshll.u32 s1, $0x11  }
0xbd: {  	s0 =	sor.u32 s1, s0  }
0xbe: {  	s0 =	sadd.s32 $0x8F2B, s0  }
0xbf: {  	[sflag:s0] =	ssyncadd.remote.s32 $0x1  }
0xc0: {  	_ =	sfence.sel $0xFFFF  }
0xc1: {  	[dreg:$0x0] =	wrdreg $0xFFFFFFFF;
	(pc) =	sbr.abs _section_cstart, $3  }
0xc2: {  	[dreg:$0x1] =	wrdreg $0xFFFFFFFF  }
0xc3: {  	_ =	task.clear_ibuf [dreg:s8], $0x2FFFF;
	_ =	strace $0x9FFFFFFF  }
0xc4: {  	(tm) =	ssettm $0x7FFFFFFF  }
0xc5: {  	_ =	shalt  }
tec
execute0_lowered:
.L_overlay_start_1:
0x0: {  	(tag) =	ssettag $0x1  }
0x1: {  	v0 =	vlaneseq.u32  }
0x2: {  	v0 =	vmul.u32 $0x80, v0  }
0x3: {  	s0 =	rddreg [dreg:$0x0]  }
0x4: {  	s1 =	rddreg [dreg:$0x1];
	v1 =	vor.u32 $0x800, v0  }
0x5: {  	s4 =	rddreg [dreg:$0x2];
	v2 =	vor.u32 $0x1000, v0;
	v3 =	vor.u32 $0x1800, v0;
	v4 =	vor.u32 $0x2000, v0  }
0x6: {  	s2 =	simm.s32 $0x0;
	s3 =	srdreg.scid;
	s6 =	stileid.u32;
	v5 =	vor.u32 $0x2800, v0;
	v6 =	vor.u32 $0x3000, v0;
	v7 =	vor.u32 $0x3800, v0  }
0x7: {  	s8 =	simm.s32 $0x80;
	s9 =	simm.s32 $0x200;
	s14 =	simm.s32 $0x1;
	v8 =	vor.u32 $0x4000, v0;
	v9 =	vor.u32 $0x4800, v0;
	v10 =	vor.u32 $0x5000, v0  }
0x8: {  	s15 =	simm.s32 $0x2;
	s16 =	simm.s32 $0x3;
	s17 =	simm.s32 $0x4;
	v11 =	vor.u32 $0x5800, v0;
	v12 =	vor.u32 $0x6000, v0;
	v13 =	vor.u32 $0x6800, v0  }
0x9: {  	s21 =	simm.s32 $0x0;
	[smem:$0x7FF] =	sst s2;
	s3 =	sand.u32 $0x1, s3;
	v14 =	vor.u32 $0x7000, v0;
	v15 =	vor.u32 $0x7800, v0;
	v16 =	vor.u32 $0x8000, v0  }
0xa: {  	s6 =	sshll.u32 s6, $0xA;
	s5 =	ssub.s32 $0x2, s3;
	s3 =	sshll.u32 s3, $0x9;
	v17 =	vor.u32 $0x8800, v0;
	v18 =	vor.u32 $0x9000, v0;
	v19 =	vor.u32 $0x9800, v0  }
0xb: {  	_ =	strace $0x80000047;
	s7 =	sshrl.u32 s5, $0x1;
	s6 =	sor.u32 s3, s6;
	v20 =	vor.u32 $0xA000, v0;
	v21 =	vor.u32 $0xA800, v0;
	v22 =	vor.u32 $0xB000, v0  }
0xc: {  	s3 =	sadd.s32 $0x186E00, s1;
	v23 =	vor.u32 $0xB800, v0;
	v24 =	vor.u32 $0xC000, v0;
	v25 =	vor.u32 $0xC800, v0;
	s30 =	sshrl.u32 s6, $0x3;
	s31 =	sadd.s32 s4, s6  }
0xd: {  	v26 =	vor.u32 $0xD000, v0;
	v27 =	vor.u32 $0xD800, v0;
	v28 =	vor.u32 $0xE000, v0;
	s29 =	ssub.s32 s5, s7;
	s0 =	sadd.s32 s0, s30;
	[dreg:$0x5] =	wrdreg s31  }
0xe: {  	v29 =	vor.u32 $0xE800, v0;
	v30 =	vor.u32 $0xF000, v0;
	v31 =	vor.u32 $0xF800, v0;
	s7 =	simm.s32 $0x5;
	s6 =	smax.u32 s29, $0x1;
	[dreg:$0x4] =	wrdreg s0  }
.LBB2_1:
0xf: {  	s0 =	rddreg [dreg:$0x4]  }
0x10: {  	[tilespmem:s2], [sflag:$0x5] =	stream.linear.gather [hbm4b:s0+s2], $0x200, $0x38;
	[tilespmem:$0x18200] =	vst v63  }
0x11: {  	_ =	swait.ge [sflag:s7], $0x200  }
0x12: {  	[sflag:s7] =	ssyncset.done $0x0  }
0x13: {  	s11 =	simm.s32 $0x3;
	[sflag:s7] =	ssyncadd.s32 $0xFFFFFE00  }
0x14: {  	[tilespmem:s9], [sflag:$0x1] =	stream.indirect.gather [hbm4b:s3+s8], $0x80, s2, s8, $0xb8;
	[tilespmem:$0x18200] =	vst v63  }
0x15: {  	s1 =	simm.s32 $0x4200;
	s12 =	simm.s32 $0x1;
	s18 =	simm.s32 $0x2;
	v32 =	vmov s11  }
0x16: {  	v33 =	vmov s12;
	v32 =	vand.u32 $0x7F, v32;
	[tilespmem:s1], [sflag:$0x2] =	stream.indirect.gather [hbm4b:s3+s8], $0x80, s8, s8, $0xb8;
	[tilespmem:$0x18200] =	vst v63  }
0x17: {  	s13 =	simm.s32 $0x100;
	s4 =	simm.s32 $0x8200;
	v51 =	vmov s18;
	v50 =	vand.u32 $0x7D, v33;
	v39 =	vbroadcast v32, $0x0  }
0x18: {  	v34 =	vmov s2;
	v41 =	vbroadcast v50, $0x0;
	v32 =	vand.u32 $0x7E, v51;
	[tilespmem:s4], [sflag:$0x3] =	stream.indirect.gather [hbm4b:s3+s8], $0x80, s13, s8, $0xb8;
	[tilespmem:$0x18200] =	vst v63  }
0x19: {  	s19 =	simm.s32 $0x180;
	s20 =	simm.s32 $0xC200;
	v34 =	vand.u32 $0x7C, v34;
	v38 =	vbroadcast v32, $0x0;
	v52 =	vor.u32 v0, v39  }
0x1a: {  	v37 =	vbroadcast v34, $0x0;
	v35 =	vor.u32 v0, v41;
	[tilespmem:s20], [sflag:$0x4] =	stream.indirect.gather [hbm4b:s3+s8], $0x80, s19, s8, $0xb8;
	[tilespmem:$0x18200] =	vst v63  }
0x1b: {  	v32 =	vor.u32 v0, v38;
	_ =	swait.ge [sflag:s14], $0x4000  }
0x1c: {  	v34 =	vor.u32 v0, v37;
	[sflag:s14] =	ssyncset.done $0x0  }
0x1d: {  	[sflag:s14] =	ssyncadd.s32 $0xFFFFC000  }
0x1e: {  	v33 =	vld.idx.msk [tilespmem:v52+s9+$0x0], $0xffff  }
0x1f: {  	v36 =	vor.u32 v1, v39;
	v35 =	vld.idx.msk [tilespmem:v35+s9+$0x0], $0xffff  }
0x20: {  	s22 =	sand.u32 $0x7000, s2;
	v40 =	vor.u32 v1, v41;
	v32 =	vld.idx.msk [tilespmem:v32+s9+$0x0], $0xffff  }
0x21: {  	s23 =	simm.s32 $0x80;
	s0 =	sor.u32 $0x10200, s22;
	v42 =	vor.u32 v1, v38;
	s1 =	sand.u32 $0x380, s19;
	v34 =	vld.idx.msk [tilespmem:v34+s9+$0x0], $0xffff  }
0x22: {  	s25 =	simm.s32 $0x100;
	s24 =	sand.u32 $0x280, s23;
	v53 =	vor.u32 v1, v37;
	s29 =	sadd.s32 s1, s0  }
0x23: {  	s26 =	simm.s32 $0x0;
	s24 =	sadd.s32 s24, s0;
	s4 =	sand.u32 $0x300, s25;
	[tilespmem:s29+$0x0] =	vst v33  }
0x24: {  	s1 =	sand.u32 $0x200, s26;
	s25 =	sadd.s32 s4, s0;
	[tilespmem:s24+$0x0] =	vst v35;
	v36 =	vld.idx.msk [tilespmem:v36+s9+$0x0], $0xffff  }
0x25: {  	v54 =	vor.u32 v2, v39;
	s28 =	sadd.s32 s1, s0;
	s4 =	simm.s32 $0x4;
	[tilespmem:s25+$0x0] =	vst v32;
	v40 =	vld.idx.msk [tilespmem:v40+s9+$0x0], $0xffff  }
0x26: {  	v43 =	vor.u32 v2, v41;
	v57 =	vmov s4;
	[tilespmem:s28+$0x0] =	vst v34;
	v55 =	vld.idx.msk [tilespmem:v42+s9+$0x0], $0xffff  }
0x27: {  	v56 =	vor.u32 v2, v38;
	v32 =	vand.u32 $0x7C, v57;
	v33 =	vld.idx.msk [tilespmem:v53+s9+$0x0], $0xffff  }
0x28: {  	v58 =	vor.u32 v2, v37;
	v32 =	vbroadcast v32, $0x0  }
0x29: {  	[tilespmem:s29+$0x10] =	vst v36  }
0x2a: {  	s5 =	simm.s32 $0x5;
	v44 =	vor.u32 v0, v32;
	[tilespmem:s24+$0x10] =	vst v40;
	v35 =	vld.idx.msk [tilespmem:v54+s9+$0x0], $0xffff  }
0x2b: {  	s10 =	simm.s32 $0x7;
	v45 =	vmov s5;
	v59 =	vor.u32 v3, v39;
	[tilespmem:s25+$0x10] =	vst v55;
	v43 =	vld.idx.msk [tilespmem:v43+s9+$0x0], $0xffff  }
0x2c: {  	v61 =	vand.u32 $0x7D, v45;
	v60 =	vor.u32 v3, v41;
	v52 =	vmov s10;
	[tilespmem:s28+$0x10] =	vst v33;
	v42 =	vld.idx.msk [tilespmem:v56+s9+$0x0], $0xffff  }
0x2d: {  	v46 =	vor.u32 v3, v38;
	v33 =	vbroadcast v61, $0x0;
	v36 =	vand.u32 $0x7F, v52;
	v62 =	vld.idx.msk [tilespmem:v58+s9+$0x0], $0xffff  }
0x2e: {  	v63 =	vor.u32 v3, v37;
	v36 =	vbroadcast v36, $0x0  }
0x2f: {  	v47 =	vor.u32 v0, v33;
	v44 =	vld.idx.msk [tilespmem:v44+s9+$0x0], $0xffff;
	[tilespmem:s29+$0x20] =	vst v35  }
0x30: {  	s11 =	simm.s32 $0x6;
	v48 =	vor.u32 v0, v36;
	[tilespmem:s24+$0x20] =	vst v43;
	v40 =	vld.idx.msk [tilespmem:v59+s9+$0x0], $0xffff  }
0x31: {  	v53 =	vor.u32 v4, v39;
	v56 =	vmov s11;
	[tilespmem:s25+$0x20] =	vst v42;
	v34 =	vld.idx.msk [tilespmem:v60+s9+$0x0], $0xffff  }
0x32: {  	v54 =	vor.u32 v4, v41;
	v57 =	vand.u32 $0x7E, v56;
	[tilespmem:s28+$0x20] =	vst v62;
	v55 =	vld.idx.msk [tilespmem:v46+s9+$0x0], $0xffff  }
0x33: {  	v58 =	vor.u32 v4, v38;
	v35 =	vbroadcast v57, $0x0;
	v49 =	vld.idx.msk [tilespmem:v63+s9+$0x0], $0xffff  }
0x34: {  	v50 =	vor.u32 v4, v37;
	s1 =	simm.s32 $0x8;
	v47 =	vld.idx.msk [tilespmem:v47+s9+$0x0], $0xffff  }
0x35: {  	v59 =	vmov s1;
	v51 =	vor.u32 v0, v35;
	v62 =	vld.idx.msk [tilespmem:v48+s9+$0x0], $0xffff;
	[tilespmem:s29+$0x30] =	vst v40  }
0x36: {  	s31 =	simm.s32 $0x800;
	v60 =	vand.u32 $0x7C, v59;
	[tilespmem:s24+$0x30] =	vst v34;
	v43 =	vld.idx.msk [tilespmem:v53+s9+$0x0], $0xffff;
	v53 =	vor.u32 v1, v36  }
0x37: {  	s12 =	sand.u32 $0x7000, s31;
	s0 =	simm.s32 $0x380;
	v61 =	vor.u32 v5, v39;
	v34 =	vbroadcast v60, $0x0;
	[tilespmem:s25+$0x30] =	vst v55;
	v42 =	vld.idx.msk [tilespmem:v54+s9+$0x0], $0xffff  }
0x38: {  	s4 =	sor.u32 $0x10200, s12;
	s5 =	sand.u32 $0x380, s0;
	v63 =	vor.u32 v5, v41;
	[tilespmem:s28+$0x30] =	vst v49;
	v52 =	vld.idx.msk [tilespmem:v58+s9+$0x0], $0xffff  }
0x39: {  	s30 =	sadd.s32 s5, s4;
	v50 =	vld.idx.msk [tilespmem:v50+s9+$0x0], $0xffff;
	v57 =	vor.u32 v0, v34  }
0x3a: {  	s19 =	simm.s32 $0x200;
	v58 =	vor.u32 v5, v38;
	v51 =	vld.idx.msk [tilespmem:v51+s9+$0x0], $0xffff;
	[tilespmem:s30+$0x0] =	vst v62  }
0x3b: {  	s5 =	sand.u32 $0x200, s19;
	v54 =	vor.u32 v1, v33;
	[tilespmem:s29+$0x40] =	vst v43;
	v53 =	vld.idx.msk [tilespmem:v53+s9+$0x0], $0xffff  }
0x3c: {  	s22 =	sadd.s32 s5, s4;
	s10 =	simm.s32 $0x280;
	v60 =	vor.u32 v1, v35;
	[tilespmem:s24+$0x40] =	vst v42;
	v46 =	vld.idx.msk [tilespmem:v61+s9+$0x0], $0xffff  }
0x3d: {  	s18 =	simm.s32 $0x300;
	s13 =	sand.u32 $0x280, s10;
	[tilespmem:s22+$0x0] =	vst v44;
	v59 =	vor.u32 v6, v39;
	v42 =	vld.idx.msk [tilespmem:v63+s9+$0x0], $0xffff  }
0x3e: {  	s10 =	sand.u32 $0x300, s18;
	s26 =	sadd.s32 s13, s4;
	v62 =	vor.u32 v5, v37;
	[tilespmem:s25+$0x40] =	vst v52;
	v40 =	vld.idx.msk [tilespmem:v57+s9+$0x0], $0xffff  }
0x3f: {  	s23 =	sadd.s32 s10, s4;
	[tilespmem:s26+$0x0] =	vst v47;
	v61 =	vor.u32 v1, v32;
	v43 =	vld.idx.msk [tilespmem:v58+s9+$0x0], $0xffff  }
0x40: {  	[tilespmem:s23+$0x0] =	vst v51;
	v63 =	vld.idx.msk [tilespmem:v54+s9+$0x0], $0xffff;
	v57 =	vor.u32 v2, v36  }
0x41: {  	v58 =	vor.u32 v6, v41;
	v49 =	vld.idx.msk [tilespmem:v60+s9+$0x0], $0xffff;
	[tilespmem:s29+$0x50] =	vst v46  }
0x42: {  	[tilespmem:s28+$0x40] =	vst v50;
	v48 =	vld.idx.msk [tilespmem:v59+s9+$0x0], $0xffff;
	v59 =	vor.u32 v2, v33  }
0x43: {  	v39 =	vor.u32 v7, v39;
	[tilespmem:s30+$0x10] =	vst v53;
	v53 =	vld.idx.msk [tilespmem:v62+s9+$0x0], $0xffff  }
0x44: {  	v45 =	vld.idx.msk [tilespmem:v61+s9+$0x0], $0xffff;
	v61 =	vor.u32 v6, v38  }
0x45: {  	s20 =	simm.s32 $0x9;
	v50 =	vor.u32 v2, v35;
	v54 =	vld.idx.msk [tilespmem:v57+s9+$0x0], $0xffff;
	[tilespmem:s24+$0x50] =	vst v42  }
0x46: {  	v60 =	vor.u32 v2, v32;
	v62 =	vmov s20;
	[tilespmem:s26+$0x10] =	vst v63;
	v42 =	vld.idx.msk [tilespmem:v58+s9+$0x0], $0xffff  }
0x47: {  	v55 =	vor.u32 v3, v36;
	v63 =	vand.u32 $0x7D, v62;
	v44 =	vld.idx.msk [tilespmem:v59+s9+$0x0], $0xffff;
	[tilespmem:s29+$0x60] =	vst v48  }
0x48: {  	v56 =	vor.u32 v6, v37;
	[tilespmem:s25+$0x50] =	vst v43;
	v51 =	vld.idx.msk [tilespmem:v39+s9+$0x0], $0xffff;
	v39 =	vbroadcast v63, $0x0  }
0x49: {  	v52 =	vor.u32 v3, v33;
	[tilespmem:s23+$0x10] =	vst v49;
	v43 =	vld.idx.msk [tilespmem:v61+s9+$0x0], $0xffff  }
0x4a: {  	[tilespmem:s22+$0x10] =	vst v45;
	v48 =	vld.idx.msk [tilespmem:v50+s9+$0x0], $0xffff;
	v45 =	vor.u32 v0, v39  }
0x4b: {  	v49 =	vor.u32 v3, v35;
	[tilespmem:s30+$0x20] =	vst v54;
	v47 =	vld.idx.msk [tilespmem:v60+s9+$0x0], $0xffff  }
0x4c: {  	[tilespmem:s28+$0x50] =	vst v53;
	v46 =	vld.idx.msk [tilespmem:v55+s9+$0x0], $0xffff;
	v50 =	vor.u32 v3, v32  }
0x4d: {  	s4 =	simm.s32 $0xB;
	s10 =	simm.s32 $0xC;
	v41 =	vor.u32 v7, v41;
	[tilespmem:s26+$0x20] =	vst v44;
	v44 =	vld.idx.msk [tilespmem:v56+s9+$0x0], $0xffff  }
.LBB2_2:
0x4e: {  	p0 =	slt.u32 s10, $0x3C;
	v53 =	vmov s4;
	v52 =	vld.idx.msk [tilespmem:v52+s9+$0x0], $0xffff;
	v54 =	vor.u32 v4, v36;
	[tilespmem:s29+$0x70] =	vst v51;
	s29 =	smov.u32 s30  }
0x4f: {  	v45 =	vld.idx.msk [tilespmem:v45+s9+$0x0], $0xffff;
	v51 =	vand.u32 $0x7F, v53;
	[tilespmem:s23+$0x20] =	vst v48;
	v48 =	vor.u32 v7, v38;
	v38 =	vmov v35  }
0x50: {  	v51 =	vbroadcast v51, $0x0;
	[tilespmem:s22+$0x20] =	vst v47;
	v47 =	vor.u32 v4, v33;
	v49 =	vld.idx.msk [tilespmem:v49+s9+$0x0], $0xffff  }
0x51: {  	s4 =	sadd.s32 $0x2, s1;
	s1 =	smov.u32 s10;
	v53 =	vor.u32 v7, v37;
	v37 =	vmov v32;
	v32 =	vmov v34;
	v50 =	vld.idx.msk [tilespmem:v50+s9+$0x0], $0xffff;
	[tilespmem:s24+$0x60] =	vst v42  }
0x52: {  	v34 =	vmov s4;
	v42 =	vor.u32 v0, v51;
	[tilespmem:s29+$0x30] =	vst v46;
	v41 =	vld.idx.msk [tilespmem:v41+s9+$0x0], $0xffff  }
0x53: {  	v34 =	vand.u32 $0x7E, v34;
	v46 =	vor.u32 v4, v38;
	v54 =	vld.idx.msk [tilespmem:v54+s9+$0x0], $0xffff;
	[tilespmem:s25+$0x60] =	vst v43  }
0x54: {  	v55 =	vor.u32 v4, v37;
	v35 =	vbroadcast v34, $0x0;
	v43 =	vmov s10;
	[tilespmem:s26+$0x30] =	vst v52;
	v48 =	vld.idx.msk [tilespmem:v48+s9+$0x0], $0xffff  }
0x55: {  	v34 =	vand.u32 $0x7C, v43;
	v43 =	vld.idx.msk [tilespmem:v47+s9+$0x0], $0xffff;
	v47 =	vor.u32 v5, v36;
	[tilespmem:s28+$0x60] =	vst v44  }
0x56: {  	v34 =	vbroadcast v34, $0x0;
	v44 =	vor.u32 v0, v35;
	[tilespmem:s23+$0x30] =	vst v49;
	v49 =	vld.idx.msk [tilespmem:v53+s9+$0x0], $0xffff  }
0x57: {  	v42 =	vld.idx.msk [tilespmem:v42+s9+$0x0], $0xffff;
	[tilespmem:s22+$0x30] =	vst v50;
	v50 =	vor.u32 v5, v33  }
0x58: {  	v52 =	vor.u32 v0, v34;
	v46 =	vld.idx.msk [tilespmem:v46+s9+$0x0], $0xffff;
	[tilespmem:s24+$0x70] =	vst v41;
	s24 =	smov.u32 s26  }
0x59: {  	s31 =	sadd.s32 $0x800, s31;
	v41 =	vor.u32 v1, v51;
	v53 =	vld.idx.msk [tilespmem:v55+s9+$0x0], $0xffff;
	[tilespmem:s29+$0x40] =	vst v54  }
0x5a: {  	s0 =	sadd.s32 $0x200, s0;
	s4 =	sand.u32 $0x7000, s31;
	v54 =	vor.u32 v5, v38;
	v47 =	vld.idx.msk [tilespmem:v47+s9+$0x0], $0xffff;
	[tilespmem:s25+$0x70] =	vst v48;
	s25 =	smov.u32 s23  }
0x5b: {  	s5 =	sadd.s32 $0xFFFFFE80, s0;
	s11 =	sand.u32 $0x380, s0;
	s4 =	sor.u32 $0x10200, s4;
	v48 =	vor.u32 v1, v39;
	v44 =	vld.idx.msk [tilespmem:v44+s9+$0x0], $0xffff;
	[tilespmem:s24+$0x40] =	vst v43  }
0x5c: {  	s12 =	sadd.s32 $0xFFFFFF00, s0;
	s13 =	sadd.s32 $0xFFFFFF80, s0;
	s30 =	sadd.s32 s11, s4;
	v43 =	vld.idx.msk [tilespmem:v50+s9+$0x0], $0xffff;
	v50 =	vor.u32 v6, v36;
	[tilespmem:s28+$0x70] =	vst v49  }
0x5d: {  	s5 =	sand.u32 $0x200, s5;
	s11 =	sand.u32 $0x280, s12;
	s12 =	sand.u32 $0x300, s13;
	v49 =	vld.idx.msk [tilespmem:v52+s9+$0x0], $0xffff;
	v52 =	vor.u32 v1, v35;
	[tilespmem:s30+$0x0] =	vst v42  }
0x5e: {  	s5 =	sadd.s32 s5, s4;
	s26 =	sadd.s32 s11, s4;
	s23 =	sadd.s32 s12, s4;
	v42 =	vor.u32 v1, v32;
	v41 =	vld.idx.msk [tilespmem:v41+s9+$0x0], $0xffff;
	[tilespmem:s25+$0x40] =	vst v46  }
0x5f: {  	s28 =	smov.u32 s22;
	s22 =	smov.u32 s5;
	[tilespmem:s26+$0x0] =	vst v45;
	v45 =	vor.u32 v5, v37;
	v46 =	vld.idx.msk [tilespmem:v54+s9+$0x0], $0xffff  }
0x60: {  	v54 =	vor.u32 v2, v51;
	v48 =	vld.idx.msk [tilespmem:v48+s9+$0x0], $0xffff;
	[tilespmem:s29+$0x50] =	vst v47  }
0x61: {  	[tilespmem:s23+$0x0] =	vst v44;
	v44 =	vor.u32 v6, v33;
	v47 =	vld.idx.msk [tilespmem:v50+s9+$0x0], $0xffff  }
0x62: {  	v50 =	vor.u32 v2, v39;
	[tilespmem:s22+$0x0] =	vst v40;
	v52 =	vld.idx.msk [tilespmem:v52+s9+$0x0], $0xffff  }
0x63: {  	v40 =	vmov v49;
	v55 =	vld.idx.msk [tilespmem:v42+s9+$0x0], $0xffff;
	[tilespmem:s28+$0x40] =	vst v53;
	v53 =	vor.u32 v7, v36;
	v36 =	vmov v51  }
0x64: {  	v49 =	vor.u32 v2, v35;
	[tilespmem:s30+$0x10] =	vst v41;
	v41 =	vld.idx.msk [tilespmem:v45+s9+$0x0], $0xffff  }
0x65: {  	v56 =	vor.u32 v2, v32;
	s4 =	sadd.s32 $0x1, s10;
	v54 =	vld.idx.msk [tilespmem:v54+s9+$0x0], $0xffff;
	[tilespmem:s24+$0x50] =	vst v43  }
0x66: {  	v43 =	vmov s4;
	[tilespmem:s26+$0x10] =	vst v48;
	v42 =	vld.idx.msk [tilespmem:v44+s9+$0x0], $0xffff;
	v44 =	vor.u32 v6, v38  }
0x67: {  	v58 =	vor.u32 v3, v36;
	v43 =	vand.u32 $0x7D, v43;
	v57 =	vld.idx.msk [tilespmem:v50+s9+$0x0], $0xffff;
	[tilespmem:s29+$0x60] =	vst v47  }
0x68: {  	v60 =	vor.u32 v6, v37;
	v59 =	vbroadcast v43, $0x0;
	[tilespmem:s23+$0x10] =	vst v52;
	v51 =	vld.idx.msk [tilespmem:v53+s9+$0x0], $0xffff  }
.Ltmp0:
0x69: {  	v52 =	vor.u32 v3, v39;
	[tilespmem:s22+$0x10] =	vst v55;
	v48 =	vld.idx.msk [tilespmem:v49+s9+$0x0], $0xffff;
	(pc) =	sbr.rel @p0 .LBB2_2-.Ltmp0, $4  }
0x6a: {  	v45 =	vor.u32 v0, v59;
	v47 =	vld.idx.msk [tilespmem:v56+s9+$0x0], $0xffff;
	[tilespmem:s25+$0x50] =	vst v46  }
0x6b: {  	v49 =	vor.u32 v3, v35;
	[tilespmem:s30+$0x20] =	vst v54;
	v43 =	vld.idx.msk [tilespmem:v44+s9+$0x0], $0xffff  }
0x6c: {  	v50 =	vor.u32 v3, v32;
	v46 =	vld.idx.msk [tilespmem:v58+s9+$0x0], $0xffff;
	[tilespmem:s28+$0x50] =	vst v41  }
0x6d: {  	s10 =	sadd.s32 $0x4, s10;
	s4 =	sadd.s32 $0x3, s1;
	v41 =	vor.u32 v7, v33;
	v33 =	vmov v39;
	v39 =	vmov v59;
	[tilespmem:s26+$0x20] =	vst v57;
	v44 =	vld.idx.msk [tilespmem:v60+s9+$0x0], $0xffff  }
0x6e: {  	_ =	sdelay $0x1  }
0x6f: {  	[tilespmem:s29+$0x70] =	vst v51  }
0x70: {  	v53 =	vor.u32 v4, v36;
	[tilespmem:s23+$0x20] =	vst v48  }
0x71: {  	v52 =	vld.idx.msk [tilespmem:v52+s9+$0x0], $0xffff;
	v61 =	vor.u32 v7, v38;
	[tilespmem:s24+$0x60] =	vst v42  }
0x72: {  	v59 =	vmov s4;
	s1 =	sadd.s32 $0x2, s1;
	v56 =	vor.u32 v7, v37;
	[tilespmem:s22+$0x20] =	vst v47;
	v63 =	vld.idx.msk [tilespmem:v49+s9+$0x0], $0xffff  }
0x73: {  	v62 =	vor.u32 v4, v33;
	v60 =	vand.u32 $0x7F, v59;
	v54 =	vmov s1;
	v41 =	vld.idx.msk [tilespmem:v41+s9+$0x0], $0xffff;
	[tilespmem:s25+$0x60] =	vst v43  }
0x74: {  	v38 =	vbroadcast v60, $0x0;
	v55 =	vld.idx.msk [tilespmem:v50+s9+$0x0], $0xffff;
	v57 =	vand.u32 $0x7E, v54;
	[tilespmem:s30+$0x30] =	vst v46  }
0x75: {  	v37 =	vbroadcast v57, $0x0;
	[tilespmem:s28+$0x60] =	vst v44;
	v59 =	vld.idx.msk [tilespmem:v53+s9+$0x0], $0xffff  }
0x76: {  	v58 =	vor.u32 v0, v38;
	[tilespmem:s26+$0x30] =	vst v52;
	v60 =	vld.idx.msk [tilespmem:v61+s9+$0x0], $0xffff  }
0x77: {  	v61 =	vor.u32 v0, v37;
	v50 =	vld.idx.msk [tilespmem:v56+s9+$0x0], $0xffff;
	[tilespmem:s23+$0x30] =	vst v63  }
0x78: {  	v47 =	vld.idx.msk [tilespmem:v62+s9+$0x0], $0xffff;
	v62 =	vor.u32 v4, v35;
	[tilespmem:s24+$0x70] =	vst v41  }
0x79: {  	s20 =	sadd.s32 $0x800, s31;
	v52 =	vld.idx.msk [tilespmem:v45+s9+$0x0], $0xffff;
	v63 =	vor.u32 v5, v36;
	[tilespmem:s22+$0x30] =	vst v55  }
0x7a: {  	s1 =	sand.u32 $0x7000, s20;
	v54 =	vor.u32 v1, v39;
	s24 =	sadd.s32 $0x200, s0;
	[tilespmem:s30+$0x40] =	vst v59  }
0x7b: {  	s1 =	sor.u32 $0x10200, s1;
	v57 =	vor.u32 v1, v34;
	s0 =	sand.u32 $0x380, s24;
	s5 =	sadd.s32 $0xFFFFFF00, s24;
	v42 =	vld.idx.msk [tilespmem:v58+s9+$0x0], $0xffff;
	[tilespmem:s25+$0x70] =	vst v60  }
0x7c: {  	v53 =	vor.u32 v1, v38;
	s10 =	sadd.s32 $0xFFFFFF80, s24;
	s4 =	sadd.s32 $0xFFFFFE80, s24;
	s5 =	sand.u32 $0x280, s5;
	v44 =	vld.idx.msk [tilespmem:v61+s9+$0x0], $0xffff;
	[tilespmem:s28+$0x70] =	vst v50  }
0x7d: {  	v55 =	vor.u32 v1, v37;
	s11 =	sand.u32 $0x300, s10;
	s4 =	sand.u32 $0x200, s4;
	s25 =	sadd.s32 s5, s1;
	[tilespmem:s26+$0x40] =	vst v47;
	v56 =	vld.idx.msk [tilespmem:v62+s9+$0x0], $0xffff  }
0x7e: {  	s0 =	sadd.s32 s0, s1;
	v58 =	vor.u32 v4, v32;
	s11 =	sadd.s32 s11, s1;
	s1 =	sadd.s32 s4, s1;
	v49 =	vld.idx.msk [tilespmem:v63+s9+$0x0], $0xffff;
	[tilespmem:s25+$0x0] =	vst v52  }
0x7f: {  	v59 =	vor.u32 v5, v33;
	[tilespmem:s1+$0x0] =	vst v40;
	v41 =	vld.idx.msk [tilespmem:v54+s9+$0x0], $0xffff  }
0x80: {  	v61 =	vor.u32 v2, v39;
	v62 =	vld.idx.msk [tilespmem:v57+s9+$0x0], $0xffff;
	[tilespmem:s0+$0x0] =	vst v42  }
0x81: {  	v45 =	vld.idx.msk [tilespmem:v53+s9+$0x0], $0xffff;
	[tilespmem:s11+$0x0] =	vst v44;
	v53 =	vor.u32 v2, v34  }
0x82: {  	v60 =	vor.u32 v2, v38;
	v44 =	vld.idx.msk [tilespmem:v55+s9+$0x0], $0xffff;
	[tilespmem:s23+$0x40] =	vst v56  }
0x83: {  	v63 =	vor.u32 v2, v37;
	v52 =	vld.idx.msk [tilespmem:v58+s9+$0x0], $0xffff;
	[tilespmem:s30+$0x50] =	vst v49  }
0x84: {  	v54 =	vor.u32 v6, v36;
	v42 =	vld.idx.msk [tilespmem:v59+s9+$0x0], $0xffff;
	[tilespmem:s25+$0x10] =	vst v41  }
0x85: {  	v55 =	vor.u32 v5, v35;
	[tilespmem:s1+$0x10] =	vst v62;
	v40 =	vld.idx.msk [tilespmem:v61+s9+$0x0], $0xffff  }
0x86: {  	v57 =	vor.u32 v3, v39;
	[tilespmem:s0+$0x10] =	vst v45;
	v59 =	vld.idx.msk [tilespmem:v53+s9+$0x0], $0xffff  }
0x87: {  	v62 =	vor.u32 v3, v34;
	v43 =	vld.idx.msk [tilespmem:v60+s9+$0x0], $0xffff;
	[tilespmem:s11+$0x10] =	vst v44  }
0x88: {  	v56 =	vor.u32 v3, v38;
	[tilespmem:s22+$0x40] =	vst v52;
	v58 =	vld.idx.msk [tilespmem:v63+s9+$0x0], $0xffff  }
0x89: {  	v61 =	vld.idx.msk [tilespmem:v54+s9+$0x0], $0xffff;
	[tilespmem:s26+$0x50] =	vst v42;
	v60 =	vor.u32 v3, v37  }
0x8a: {  	v52 =	vor.u32 v7, v36;
	v45 =	vld.idx.msk [tilespmem:v55+s9+$0x0], $0xffff;
	[tilespmem:s25+$0x20] =	vst v40  }
0x8b: {  	v63 =	vor.u32 v5, v32;
	v40 =	vld.idx.msk [tilespmem:v57+s9+$0x0], $0xffff;
	[tilespmem:s1+$0x20] =	vst v59  }
0x8c: {  	v54 =	vor.u32 v4, v39;
	[tilespmem:s0+$0x20] =	vst v43;
	v42 =	vld.idx.msk [tilespmem:v62+s9+$0x0], $0xffff  }
0x8d: {  	v57 =	vor.u32 v4, v34;
	v41 =	vld.idx.msk [tilespmem:v56+s9+$0x0], $0xffff;
	[tilespmem:s11+$0x20] =	vst v58  }
0x8e: {  	v53 =	vor.u32 v4, v38;
	[tilespmem:s30+$0x60] =	vst v61;
	v46 =	vld.idx.msk [tilespmem:v60+s9+$0x0], $0xffff  }
0x8f: {  	v55 =	vor.u32 v4, v37;
	v36 =	vld.idx.msk [tilespmem:v52+s9+$0x0], $0xffff;
	[tilespmem:s23+$0x50] =	vst v45  }
0x90: {  	v56 =	vld.idx.msk [tilespmem:v63+s9+$0x0], $0xffff;
	v58 =	vor.u32 v6, v33;
	[tilespmem:s25+$0x30] =	vst v40  }
0x91: {  	v59 =	vor.u32 v6, v35;
	v40 =	vld.idx.msk [tilespmem:v54+s9+$0x0], $0xffff;
	[tilespmem:s1+$0x30] =	vst v42  }
0x92: {  	v61 =	vor.u32 v5, v39;
	[tilespmem:s0+$0x30] =	vst v41;
	v45 =	vld.idx.msk [tilespmem:v57+s9+$0x0], $0xffff  }
0x93: {  	v52 =	vor.u32 v5, v34;
	v43 =	vld.idx.msk [tilespmem:v53+s9+$0x0], $0xffff;
	[tilespmem:s11+$0x30] =	vst v46  }
0x94: {  	v60 =	vor.u32 v5, v38;
	[tilespmem:s30+$0x70] =	vst v36;
	v46 =	vld.idx.msk [tilespmem:v55+s9+$0x0], $0xffff  }
0x95: {  	v62 =	vor.u32 v5, v37;
	[tilespmem:s22+$0x50] =	vst v56;
	v63 =	vld.idx.msk [tilespmem:v58+s9+$0x0], $0xffff  }
0x96: {  	v41 =	vld.idx.msk [tilespmem:v59+s9+$0x0], $0xffff;
	v53 =	vor.u32 v6, v32;
	[tilespmem:s25+$0x40] =	vst v40  }
0x97: {  	v54 =	vor.u32 v7, v33;
	v40 =	vld.idx.msk [tilespmem:v61+s9+$0x0], $0xffff;
	[tilespmem:s1+$0x40] =	vst v45  }
0x98: {  	v57 =	vor.u32 v6, v39;
	[tilespmem:s0+$0x40] =	vst v43;
	v36 =	vld.idx.msk [tilespmem:v52+s9+$0x0], $0xffff  }
0x99: {  	v43 =	vld.idx.msk [tilespmem:v60+s9+$0x0], $0xffff;
	[tilespmem:s11+$0x40] =	vst v46;
	v60 =	vor.u32 v6, v34  }
0x9a: {  	v55 =	vor.u32 v6, v38;
	[tilespmem:s26+$0x60] =	vst v63;
	v56 =	vld.idx.msk [tilespmem:v62+s9+$0x0], $0xffff  }
0x9b: {  	v58 =	vor.u32 v6, v37;
	[tilespmem:s23+$0x60] =	vst v41;
	v59 =	vld.idx.msk [tilespmem:v53+s9+$0x0], $0xffff  }
0x9c: {  	v61 =	vor.u32 v7, v35;
	v33 =	vld.idx.msk [tilespmem:v54+s9+$0x0], $0xffff;
	[tilespmem:s25+$0x50] =	vst v40  }
0x9d: {  	v62 =	vor.u32 v7, v32;
	v40 =	vld.idx.msk [tilespmem:v57+s9+$0x0], $0xffff;
	[tilespmem:s1+$0x50] =	vst v36  }
0x9e: {  	v44 =	vor.u32 v7, v39;
	[tilespmem:s0+$0x50] =	vst v43;
	v45 =	vld.idx.msk [tilespmem:v60+s9+$0x0], $0xffff  }
0x9f: {  	v46 =	vor.u32 v7, v34;
	v42 =	vld.idx.msk [tilespmem:v55+s9+$0x0], $0xffff;
	[tilespmem:s11+$0x50] =	vst v56  }
0xa0: {  	v38 =	vor.u32 v7, v38;
	[tilespmem:s22+$0x60] =	vst v59;
	v63 =	vld.idx.msk [tilespmem:v58+s9+$0x0], $0xffff  }
0xa1: {  	v37 =	vor.u32 v7, v37;
	v35 =	vld.idx.msk [tilespmem:v61+s9+$0x0], $0xffff;
	[tilespmem:s26+$0x70] =	vst v33  }
0xa2: {  	v32 =	vld.idx.msk [tilespmem:v62+s9+$0x0], $0xffff;
	[tilespmem:s25+$0x60] =	vst v40  }
0xa3: {  	v36 =	vld.idx.msk [tilespmem:v44+s9+$0x0], $0xffff;
	[tilespmem:s1+$0x60] =	vst v45  }
0xa4: {  	[tilespmem:s0+$0x60] =	vst v42;
	v33 =	vld.idx.msk [tilespmem:v46+s9+$0x0], $0xffff  }
0xa5: {  	s26 =	simm.s32 $0x3;
	v47 =	vld.idx.msk [tilespmem:v38+s9+$0x0], $0xffff;
	[tilespmem:s11+$0x60] =	vst v63  }
0xa6: {  	s12 =	simm.s32 $0x2;
	v48 =	vmov s26;
	[tilespmem:s23+$0x70] =	vst v35;
	v37 =	vld.idx.msk [tilespmem:v37+s9+$0x0], $0xffff  }
0xa7: {  	s5 =	simm.s32 $0x1;
	v52 =	vmov s12;
	v49 =	vand.u32 $0x7F, v48;
	[tilespmem:s22+$0x70] =	vst v32  }
0xa8: {  	v50 =	vmov s5;
	v39 =	vbroadcast v49, $0x0;
	v32 =	vand.u32 $0x7E, v52;
	[tilespmem:s25+$0x70] =	vst v36  }
0xa9: {  	v51 =	vand.u32 $0x7D, v50;
	v38 =	vbroadcast v32, $0x0;
	[tilespmem:s1+$0x70] =	vst v33  }
0xaa: {  	s13 =	simm.s32 $0x0;
	v41 =	vbroadcast v51, $0x0;
	v53 =	vor.u32 v8, v39;
	[tilespmem:s0+$0x70] =	vst v47  }
0xab: {  	v54 =	vmov s13;
	v32 =	vor.u32 v8, v38;
	[tilespmem:s11+$0x70] =	vst v37  }
0xac: {  	v55 =	vor.u32 v8, v41;
	v33 =	vand.u32 $0x7C, v54;
	_ =	swait.ge [sflag:s15], $0x4000  }
0xad: {  	v37 =	vbroadcast v33, $0x0;
	[sflag:s15] =	ssyncset.done $0x0  }
0xae: {  	[sflag:s15] =	ssyncadd.s32 $0xFFFFC000  }
0xaf: {  	v33 =	vor.u32 v8, v37;
	v34 =	vld.idx.msk [tilespmem:v53+s9+$0x0], $0xffff  }
0xb0: {  	v56 =	vor.u32 v9, v39;
	v32 =	vld.idx.msk [tilespmem:v32+s9+$0x0], $0xffff  }
0xb1: {  	s18 =	simm.s32 $0x180;
	s19 =	sand.u32 $0x7000, s13;
	s20 =	simm.s32 $0x80;
	v58 =	vor.u32 v9, v38;
	v35 =	vld.idx.msk [tilespmem:v55+s9+$0x0], $0xffff  }
0xb2: {  	v57 =	vor.u32 v9, v41;
	s23 =	simm.s32 $0x100;
	s1 =	sor.u32 $0x10200, s19;
	s0 =	sand.u32 $0x380, s18  }
0xb3: {  	s4 =	sand.u32 $0x300, s23;
	s25 =	simm.s32 $0x0;
	s29 =	sadd.s32 s0, s1  }
0xb4: {  	s22 =	sand.u32 $0x280, s20;
	s0 =	sand.u32 $0x200, s25;
	s25 =	sadd.s32 s4, s1;
	v33 =	vld.idx.msk [tilespmem:v33+s9+$0x0], $0xffff;
	[tilespmem:s29+$0x400] =	vst v34  }
0xb5: {  	s24 =	sadd.s32 s22, s1;
	v59 =	vor.u32 v9, v37;
	[tilespmem:s25+$0x400] =	vst v32;
	v36 =	vld.idx.msk [tilespmem:v56+s9+$0x0], $0xffff  }
0xb6: {  	v60 =	vor.u32 v10, v39;
	[tilespmem:s24+$0x400] =	vst v35;
	v62 =	vld.idx.msk [tilespmem:v58+s9+$0x0], $0xffff  }
0xb7: {  	v63 =	vor.u32 v10, v38;
	v40 =	vld.idx.msk [tilespmem:v57+s9+$0x0], $0xffff  }
0xb8: {  	v61 =	vor.u32 v10, v41;
	s28 =	sadd.s32 s0, s1  }
0xb9: {  	[tilespmem:s28+$0x400] =	vst v33  }
0xba: {  	v34 =	vld.idx.msk [tilespmem:v59+s9+$0x0], $0xffff;
	[tilespmem:s29+$0x410] =	vst v36  }
0xbb: {  	s1 =	simm.s32 $0x5;
	v48 =	vor.u32 v10, v37;
	[tilespmem:s25+$0x410] =	vst v62;
	v35 =	vld.idx.msk [tilespmem:v60+s9+$0x0], $0xffff  }
0xbc: {  	v49 =	vor.u32 v11, v39;
	v52 =	vmov s1;
	[tilespmem:s24+$0x410] =	vst v40;
	v53 =	vld.idx.msk [tilespmem:v63+s9+$0x0], $0xffff  }
0xbd: {  	s4 =	simm.s32 $0x7;
	v55 =	vor.u32 v11, v38;
	v33 =	vand.u32 $0x7D, v52;
	v43 =	vld.idx.msk [tilespmem:v61+s9+$0x0], $0xffff  }
0xbe: {  	v50 =	vor.u32 v11, v41;
	v57 =	vmov s4;
	v33 =	vbroadcast v33, $0x0  }
0xbf: {  	v36 =	vand.u32 $0x7F, v57;
	[tilespmem:s28+$0x410] =	vst v34  }
0xc0: {  	s26 =	simm.s32 $0x4;
	v59 =	vor.u32 v8, v33;
	v36 =	vbroadcast v36, $0x0;
	v54 =	vld.idx.msk [tilespmem:v48+s9+$0x0], $0xffff;
	[tilespmem:s29+$0x420] =	vst v35  }
0xc1: {  	v47 =	vmov s26;
	v56 =	vor.u32 v11, v37;
	[tilespmem:s25+$0x420] =	vst v53;
	v40 =	vld.idx.msk [tilespmem:v49+s9+$0x0], $0xffff  }
0xc2: {  	s1 =	simm.s32 $0x8;
	v32 =	vand.u32 $0x7C, v47;
	v62 =	vor.u32 v8, v36;
	[tilespmem:s24+$0x420] =	vst v43;
	v42 =	vld.idx.msk [tilespmem:v55+s9+$0x0], $0xffff  }
0xc3: {  	v32 =	vbroadcast v32, $0x0;
	v58 =	vor.u32 v12, v39;
	v57 =	vmov s1;
	v44 =	vld.idx.msk [tilespmem:v50+s9+$0x0], $0xffff  }
0xc4: {  	s5 =	simm.s32 $0x6;
	v60 =	vor.u32 v12, v41;
	v55 =	vand.u32 $0x7C, v57  }
0xc5: {  	v51 =	vor.u32 v8, v32;
	v61 =	vmov s5;
	v47 =	vld.idx.msk [tilespmem:v59+s9+$0x0], $0xffff;
	v34 =	vbroadcast v55, $0x0;
	[tilespmem:s28+$0x420] =	vst v54  }
0xc6: {  	v53 =	vand.u32 $0x7E, v61;
	v54 =	vor.u32 v12, v38;
	v63 =	vld.idx.msk [tilespmem:v56+s9+$0x0], $0xffff;
	[tilespmem:s29+$0x430] =	vst v40  }
0xc7: {  	v35 =	vbroadcast v53, $0x0;
	[tilespmem:s25+$0x430] =	vst v42;
	v42 =	vld.idx.msk [tilespmem:v62+s9+$0x0], $0xffff;
	v62 =	vor.u32 v8, v34  }
0xc8: {  	[tilespmem:s24+$0x430] =	vst v44;
	v43 =	vld.idx.msk [tilespmem:v58+s9+$0x0], $0xffff;
	v58 =	vor.u32 v12, v37  }
0xc9: {  	v59 =	vld.idx.msk [tilespmem:v60+s9+$0x0], $0xffff;
	v60 =	vor.u32 v8, v35  }
0xca: {  	v45 =	vld.idx.msk [tilespmem:v51+s9+$0x0], $0xffff;
	v56 =	vor.u32 v13, v39  }
0xcb: {  	s31 =	simm.s32 $0x800;
	v57 =	vor.u32 v9, v36;
	[tilespmem:s28+$0x430] =	vst v63;
	v63 =	vld.idx.msk [tilespmem:v54+s9+$0x0], $0xffff  }
0xcc: {  	s10 =	sand.u32 $0x7000, s31;
	s0 =	simm.s32 $0x380;
	v61 =	vor.u32 v13, v41;
	v40 =	vld.idx.msk [tilespmem:v62+s9+$0x0], $0xffff  }
0xcd: {  	s11 =	sand.u32 $0x380, s0;
	s4 =	sor.u32 $0x10200, s10;
	v54 =	vor.u32 v9, v33;
	v50 =	vld.idx.msk [tilespmem:v58+s9+$0x0], $0xffff  }
0xce: {  	s12 =	simm.s32 $0x280;
	s30 =	sadd.s32 s11, s4;
	[tilespmem:s29+$0x440] =	vst v43;
	v58 =	vor.u32 v13, v38;
	v44 =	vld.idx.msk [tilespmem:v60+s9+$0x0], $0xffff  }
0xcf: {  	s13 =	sand.u32 $0x280, s12;
	[tilespmem:s30+$0x400] =	vst v42;
	v60 =	vor.u32 v9, v35;
	v46 =	vld.idx.msk [tilespmem:v56+s9+$0x0], $0xffff  }
0xd0: {  	s18 =	simm.s32 $0x300;
	s26 =	sadd.s32 s13, s4;
	[tilespmem:s24+$0x440] =	vst v59;
	v59 =	vor.u32 v14, v39;
	v53 =	vld.idx.msk [tilespmem:v57+s9+$0x0], $0xffff  }
0xd1: {  	s10 =	sand.u32 $0x300, s18;
	[tilespmem:s26+$0x400] =	vst v47;
	v48 =	vld.idx.msk [tilespmem:v61+s9+$0x0], $0xffff;
	v61 =	vor.u32 v9, v32  }
0xd2: {  	s19 =	simm.s32 $0x200;
	s23 =	sadd.s32 s10, s4;
	v62 =	vor.u32 v13, v37;
	[tilespmem:s25+$0x440] =	vst v63;
	v63 =	vld.idx.msk [tilespmem:v54+s9+$0x0], $0xffff  }
0xd3: {  	s5 =	sand.u32 $0x200, s19;
	v57 =	vor.u32 v10, v36;
	v43 =	vld.idx.msk [tilespmem:v58+s9+$0x0], $0xffff;
	[tilespmem:s23+$0x400] =	vst v44  }
0xd4: {  	s22 =	sadd.s32 s5, s4;
	v58 =	vor.u32 v14, v41;
	[tilespmem:s29+$0x450] =	vst v46;
	v49 =	vld.idx.msk [tilespmem:v60+s9+$0x0], $0xffff  }
0xd5: {  	[tilespmem:s22+$0x400] =	vst v45;
	v46 =	vld.idx.msk [tilespmem:v59+s9+$0x0], $0xffff;
	v59 =	vor.u32 v10, v33  }
0xd6: {  	v39 =	vor.u32 v15, v39;
	[tilespmem:s28+$0x440] =	vst v50;
	v55 =	vld.idx.msk [tilespmem:v61+s9+$0x0], $0xffff  }
0xd7: {  	[tilespmem:s30+$0x410] =	vst v53;
	v53 =	vld.idx.msk [tilespmem:v62+s9+$0x0], $0xffff;
	v61 =	vor.u32 v14, v38  }
0xd8: {  	s20 =	simm.s32 $0x9;
	v50 =	vor.u32 v10, v35;
	v54 =	vld.idx.msk [tilespmem:v57+s9+$0x0], $0xffff;
	[tilespmem:s24+$0x450] =	vst v48  }
0xd9: {  	v60 =	vor.u32 v10, v32;
	v62 =	vmov s20;
	[tilespmem:s26+$0x410] =	vst v63;
	v42 =	vld.idx.msk [tilespmem:v58+s9+$0x0], $0xffff  }
0xda: {  	v57 =	vor.u32 v11, v36;
	v63 =	vand.u32 $0x7D, v62;
	v56 =	vld.idx.msk [tilespmem:v59+s9+$0x0], $0xffff;
	[tilespmem:s29+$0x460] =	vst v46  }
0xdb: {  	v58 =	vor.u32 v14, v37;
	[tilespmem:s25+$0x450] =	vst v43;
	v51 =	vld.idx.msk [tilespmem:v39+s9+$0x0], $0xffff;
	v39 =	vbroadcast v63, $0x0  }
0xdc: {  	v52 =	vor.u32 v11, v33;
	[tilespmem:s23+$0x410] =	vst v49;
	v43 =	vld.idx.msk [tilespmem:v61+s9+$0x0], $0xffff  }
0xdd: {  	[tilespmem:s22+$0x410] =	vst v55;
	v48 =	vld.idx.msk [tilespmem:v50+s9+$0x0], $0xffff;
	v45 =	vor.u32 v8, v39  }
0xde: {  	[tilespmem:s30+$0x420] =	vst v54;
	v49 =	vor.u32 v11, v35;
	v47 =	vld.idx.msk [tilespmem:v60+s9+$0x0], $0xffff  }
0xdf: {  	[tilespmem:s28+$0x450] =	vst v53;
	v46 =	vld.idx.msk [tilespmem:v57+s9+$0x0], $0xffff;
	v50 =	vor.u32 v11, v32  }
0xe0: {  	s10 =	simm.s32 $0xC;
	s4 =	simm.s32 $0xB;
	v41 =	vor.u32 v15, v41;
	v44 =	vld.idx.msk [tilespmem:v58+s9+$0x0], $0xffff;
	[tilespmem:s26+$0x420] =	vst v56  }
.LBB2_4:
0xe1: {  	p0 =	slt.u32 s10, $0x3C;
	v53 =	vmov s4;
	v52 =	vld.idx.msk [tilespmem:v52+s9+$0x0], $0xffff;
	v54 =	vor.u32 v12, v36;
	[tilespmem:s29+$0x470] =	vst v51;
	s29 =	smov.u32 s30  }
0xe2: {  	v45 =	vld.idx.msk [tilespmem:v45+s9+$0x0], $0xffff;
	v51 =	vand.u32 $0x7F, v53;
	[tilespmem:s23+$0x420] =	vst v48;
	v48 =	vor.u32 v15, v38;
	v38 =	vmov v35  }
0xe3: {  	v51 =	vbroadcast v51, $0x0;
	[tilespmem:s22+$0x420] =	vst v47;
	v47 =	vor.u32 v12, v33;
	v49 =	vld.idx.msk [tilespmem:v49+s9+$0x0], $0xffff  }
0xe4: {  	s4 =	sadd.s32 $0x2, s1;
	s1 =	smov.u32 s10;
	v53 =	vor.u32 v15, v37;
	v37 =	vmov v32;
	v32 =	vmov v34;
	v50 =	vld.idx.msk [tilespmem:v50+s9+$0x0], $0xffff;
	[tilespmem:s24+$0x460] =	vst v42  }
0xe5: {  	v34 =	vmov s4;
	v42 =	vor.u32 v8, v51;
	[tilespmem:s29+$0x430] =	vst v46;
	v41 =	vld.idx.msk [tilespmem:v41+s9+$0x0], $0xffff  }
0xe6: {  	v34 =	vand.u32 $0x7E, v34;
	v46 =	vor.u32 v12, v38;
	v54 =	vld.idx.msk [tilespmem:v54+s9+$0x0], $0xffff;
	[tilespmem:s25+$0x460] =	vst v43  }
0xe7: {  	v55 =	vor.u32 v12, v37;
	v35 =	vbroadcast v34, $0x0;
	v43 =	vmov s10;
	[tilespmem:s26+$0x430] =	vst v52;
	v48 =	vld.idx.msk [tilespmem:v48+s9+$0x0], $0xffff  }
0xe8: {  	v34 =	vand.u32 $0x7C, v43;
	v43 =	vld.idx.msk [tilespmem:v47+s9+$0x0], $0xffff;
	v47 =	vor.u32 v13, v36;
	[tilespmem:s28+$0x460] =	vst v44  }
0xe9: {  	v34 =	vbroadcast v34, $0x0;
	v44 =	vor.u32 v8, v35;
	[tilespmem:s23+$0x430] =	vst v49;
	v49 =	vld.idx.msk [tilespmem:v53+s9+$0x0], $0xffff  }
0xea: {  	v42 =	vld.idx.msk [tilespmem:v42+s9+$0x0], $0xffff;
	[tilespmem:s22+$0x430] =	vst v50;
	v50 =	vor.u32 v13, v33  }
0xeb: {  	v52 =	vor.u32 v8, v34;
	v46 =	vld.idx.msk [tilespmem:v46+s9+$0x0], $0xffff;
	[tilespmem:s24+$0x470] =	vst v41;
	s24 =	smov.u32 s26  }
0xec: {  	s31 =	sadd.s32 $0x800, s31;
	v41 =	vor.u32 v9, v51;
	v53 =	vld.idx.msk [tilespmem:v55+s9+$0x0], $0xffff;
	[tilespmem:s29+$0x440] =	vst v54  }
0xed: {  	s0 =	sadd.s32 $0x200, s0;
	s4 =	sand.u32 $0x7000, s31;
	v54 =	vor.u32 v13, v38;
	v47 =	vld.idx.msk [tilespmem:v47+s9+$0x0], $0xffff;
	[tilespmem:s25+$0x470] =	vst v48;
	s25 =	smov.u32 s23  }
0xee: {  	s5 =	sadd.s32 $0xFFFFFE80, s0;
	s11 =	sand.u32 $0x380, s0;
	s4 =	sor.u32 $0x10200, s4;
	v48 =	vor.u32 v9, v39;
	v44 =	vld.idx.msk [tilespmem:v44+s9+$0x0], $0xffff;
	[tilespmem:s24+$0x440] =	vst v43  }
0xef: {  	s12 =	sadd.s32 $0xFFFFFF00, s0;
	s13 =	sadd.s32 $0xFFFFFF80, s0;
	s30 =	sadd.s32 s11, s4;
	v43 =	vld.idx.msk [tilespmem:v50+s9+$0x0], $0xffff;
	v50 =	vor.u32 v14, v36;
	[tilespmem:s28+$0x470] =	vst v49  }
0xf0: {  	s5 =	sand.u32 $0x200, s5;
	s11 =	sand.u32 $0x280, s12;
	s12 =	sand.u32 $0x300, s13;
	v49 =	vld.idx.msk [tilespmem:v52+s9+$0x0], $0xffff;
	v52 =	vor.u32 v9, v35;
	[tilespmem:s30+$0x400] =	vst v42  }
0xf1: {  	s5 =	sadd.s32 s5, s4;
	s26 =	sadd.s32 s11, s4;
	s23 =	sadd.s32 s12, s4;
	v42 =	vor.u32 v9, v32;
	v41 =	vld.idx.msk [tilespmem:v41+s9+$0x0], $0xffff;
	[tilespmem:s25+$0x440] =	vst v46  }
0xf2: {  	s28 =	smov.u32 s22;
	s22 =	smov.u32 s5;
	[tilespmem:s26+$0x400] =	vst v45;
	v45 =	vor.u32 v13, v37;
	v46 =	vld.idx.msk [tilespmem:v54+s9+$0x0], $0xffff  }
0xf3: {  	v54 =	vor.u32 v10, v51;
	v48 =	vld.idx.msk [tilespmem:v48+s9+$0x0], $0xffff;
	[tilespmem:s29+$0x450] =	vst v47  }
0xf4: {  	[tilespmem:s23+$0x400] =	vst v44;
	v44 =	vor.u32 v14, v33;
	v47 =	vld.idx.msk [tilespmem:v50+s9+$0x0], $0xffff  }
0xf5: {  	v50 =	vor.u32 v10, v39;
	[tilespmem:s22+$0x400] =	vst v40;
	v52 =	vld.idx.msk [tilespmem:v52+s9+$0x0], $0xffff  }
0xf6: {  	v40 =	vmov v49;
	v55 =	vld.idx.msk [tilespmem:v42+s9+$0x0], $0xffff;
	[tilespmem:s28+$0x440] =	vst v53;
	v53 =	vor.u32 v15, v36;
	v36 =	vmov v51  }
0xf7: {  	v49 =	vor.u32 v10, v35;
	[tilespmem:s30+$0x410] =	vst v41;
	v41 =	vld.idx.msk [tilespmem:v45+s9+$0x0], $0xffff  }
0xf8: {  	v56 =	vor.u32 v10, v32;
	s4 =	sadd.s32 $0x1, s10;
	v54 =	vld.idx.msk [tilespmem:v54+s9+$0x0], $0xffff;
	[tilespmem:s24+$0x450] =	vst v43  }
0xf9: {  	v43 =	vmov s4;
	[tilespmem:s26+$0x410] =	vst v48;
	v42 =	vld.idx.msk [tilespmem:v44+s9+$0x0], $0xffff;
	v44 =	vor.u32 v14, v38  }
0xfa: {  	v58 =	vor.u32 v11, v36;
	v43 =	vand.u32 $0x7D, v43;
	v57 =	vld.idx.msk [tilespmem:v50+s9+$0x0], $0xffff;
	[tilespmem:s29+$0x460] =	vst v47  }
0xfb: {  	v60 =	vor.u32 v14, v37;
	v59 =	vbroadcast v43, $0x0;
	[tilespmem:s23+$0x410] =	vst v52;
	v51 =	vld.idx.msk [tilespmem:v53+s9+$0x0], $0xffff  }
.Ltmp1:
0xfc: {  	v52 =	vor.u32 v11, v39;
	[tilespmem:s22+$0x410] =	vst v55;
	v48 =	vld.idx.msk [tilespmem:v49+s9+$0x0], $0xffff;
	(pc) =	sbr.rel @p0 .LBB2_4-.Ltmp1, $4  }
0xfd: {  	v45 =	vor.u32 v8, v59;
	v47 =	vld.idx.msk [tilespmem:v56+s9+$0x0], $0xffff;
	[tilespmem:s25+$0x450] =	vst v46  }
0xfe: {  	v49 =	vor.u32 v11, v35;
	[tilespmem:s30+$0x420] =	vst v54;
	v43 =	vld.idx.msk [tilespmem:v44+s9+$0x0], $0xffff  }
0xff: {  	v50 =	vor.u32 v11, v32;
	v46 =	vld.idx.msk [tilespmem:v58+s9+$0x0], $0xffff;
	[tilespmem:s28+$0x450] =	vst v41  }
0x100: {  	s10 =	sadd.s32 $0x4, s10;
	s4 =	sadd.s32 $0x3, s1;
	v41 =	vor.u32 v15, v33;
	v33 =	vmov v39;
	v39 =	vmov v59;
	[tilespmem:s26+$0x420] =	vst v57;
	v44 =	vld.idx.msk [tilespmem:v60+s9+$0x0], $0xffff  }
0x101: {  	_ =	sdelay $0x1  }
0x102: {  	[tilespmem:s29+$0x470] =	vst v51  }
0x103: {  	v53 =	vor.u32 v12, v36;
	[tilespmem:s23+$0x420] =	vst v48  }
0x104: {  	v52 =	vld.idx.msk [tilespmem:v52+s9+$0x0], $0xffff;
	v62 =	vor.u32 v15, v38;
	[tilespmem:s24+$0x460] =	vst v42  }
0x105: {  	v60 =	vmov s4;
	s1 =	sadd.s32 $0x2, s1;
	v57 =	vor.u32 v15, v37;
	s13 =	sadd.s32 $0x800, s31;
	s18 =	sadd.s32 $0x200, s0;
	[tilespmem:s22+$0x420] =	vst v47;
	v54 =	vld.idx.msk [tilespmem:v49+s9+$0x0], $0xffff  }
0x106: {  	v63 =	vor.u32 v12, v33;
	v61 =	vand.u32 $0x7F, v60;
	v55 =	vmov s1;
	v41 =	vld.idx.msk [tilespmem:v41+s9+$0x0], $0xffff;
	s1 =	sand.u32 $0x7000, s13;
	s4 =	sadd.s32 $0xFFFFFE80, s18;
	[tilespmem:s25+$0x460] =	vst v43  }
0x107: {  	v38 =	vbroadcast v61, $0x0;
	v56 =	vld.idx.msk [tilespmem:v50+s9+$0x0], $0xffff;
	v58 =	vand.u32 $0x7E, v55;
	s5 =	sor.u32 $0x10200, s1;
	s4 =	sand.u32 $0x200, s4;
	[tilespmem:s30+$0x430] =	vst v46  }
0x108: {  	v37 =	vbroadcast v58, $0x0;
	s11 =	sadd.s32 s4, s5;
	[tilespmem:s28+$0x460] =	vst v44;
	v60 =	vld.idx.msk [tilespmem:v53+s9+$0x0], $0xffff  }
0x109: {  	v59 =	vor.u32 v8, v38;
	[tilespmem:s11+$0x400] =	vst v40;
	v61 =	vld.idx.msk [tilespmem:v62+s9+$0x0], $0xffff  }
0x10a: {  	[tilespmem:s26+$0x430] =	vst v52;
	v62 =	vor.u32 v8, v37;
	v50 =	vld.idx.msk [tilespmem:v57+s9+$0x0], $0xffff  }
0x10b: {  	v47 =	vld.idx.msk [tilespmem:v63+s9+$0x0], $0xffff;
	[tilespmem:s23+$0x430] =	vst v54;
	v63 =	vor.u32 v12, v35  }
0x10c: {  	v52 =	vor.u32 v13, v36;
	v53 =	vld.idx.msk [tilespmem:v45+s9+$0x0], $0xffff;
	[tilespmem:s24+$0x470] =	vst v41  }
0x10d: {  	v55 =	vor.u32 v9, v39;
	[tilespmem:s22+$0x430] =	vst v56  }
0x10e: {  	s19 =	sadd.s32 $0xFFFFFF00, s18;
	v58 =	vor.u32 v9, v34;
	v42 =	vld.idx.msk [tilespmem:v59+s9+$0x0], $0xffff;
	[tilespmem:s30+$0x440] =	vst v60  }
0x10f: {  	s1 =	sand.u32 $0x280, s19;
	v54 =	vor.u32 v9, v38;
	[tilespmem:s25+$0x470] =	vst v61;
	v44 =	vld.idx.msk [tilespmem:v62+s9+$0x0], $0xffff  }
0x110: {  	s1 =	sadd.s32 s1, s5;
	v56 =	vor.u32 v9, v37;
	[tilespmem:s28+$0x470] =	vst v50;
	v57 =	vld.idx.msk [tilespmem:v63+s9+$0x0], $0xffff  }
0x111: {  	s0 =	sand.u32 $0x380, s18;
	s10 =	sadd.s32 $0xFFFFFF80, s18;
	v59 =	vor.u32 v12, v32;
	[tilespmem:s1+$0x400] =	vst v53;
	v49 =	vld.idx.msk [tilespmem:v52+s9+$0x0], $0xffff  }
0x112: {  	s10 =	sand.u32 $0x300, s10;
	s0 =	sadd.s32 s0, s5;
	v60 =	vor.u32 v13, v33;
	[tilespmem:s26+$0x440] =	vst v47;
	v41 =	vld.idx.msk [tilespmem:v55+s9+$0x0], $0xffff  }
0x113: {  	s10 =	sadd.s32 s10, s5;
	v62 =	vor.u32 v10, v39;
	v63 =	vld.idx.msk [tilespmem:v58+s9+$0x0], $0xffff;
	[tilespmem:s0+$0x400] =	vst v42  }
0x114: {  	v45 =	vld.idx.msk [tilespmem:v54+s9+$0x0], $0xffff;
	[tilespmem:s10+$0x400] =	vst v44;
	v54 =	vor.u32 v10, v34  }
0x115: {  	v61 =	vor.u32 v10, v38;
	v44 =	vld.idx.msk [tilespmem:v56+s9+$0x0], $0xffff;
	[tilespmem:s23+$0x440] =	vst v57  }
0x116: {  	v52 =	vor.u32 v10, v37;
	v53 =	vld.idx.msk [tilespmem:v59+s9+$0x0], $0xffff;
	[tilespmem:s30+$0x450] =	vst v49  }
0x117: {  	v55 =	vor.u32 v14, v36;
	v42 =	vld.idx.msk [tilespmem:v60+s9+$0x0], $0xffff;
	[tilespmem:s1+$0x410] =	vst v41  }
0x118: {  	v56 =	vor.u32 v13, v35;
	[tilespmem:s11+$0x410] =	vst v63;
	v40 =	vld.idx.msk [tilespmem:v62+s9+$0x0], $0xffff  }
0x119: {  	v58 =	vor.u32 v11, v39;
	[tilespmem:s0+$0x410] =	vst v45;
	v60 =	vld.idx.msk [tilespmem:v54+s9+$0x0], $0xffff  }
0x11a: {  	v63 =	vor.u32 v11, v34;
	v43 =	vld.idx.msk [tilespmem:v61+s9+$0x0], $0xffff;
	[tilespmem:s10+$0x410] =	vst v44  }
0x11b: {  	v57 =	vor.u32 v11, v38;
	[tilespmem:s22+$0x440] =	vst v53;
	v59 =	vld.idx.msk [tilespmem:v52+s9+$0x0], $0xffff  }
0x11c: {  	v62 =	vld.idx.msk [tilespmem:v55+s9+$0x0], $0xffff;
	[tilespmem:s26+$0x450] =	vst v42;
	v61 =	vor.u32 v11, v37  }
0x11d: {  	v53 =	vor.u32 v15, v36;
	v45 =	vld.idx.msk [tilespmem:v56+s9+$0x0], $0xffff;
	[tilespmem:s1+$0x420] =	vst v40  }
0x11e: {  	v52 =	vor.u32 v13, v32;
	v40 =	vld.idx.msk [tilespmem:v58+s9+$0x0], $0xffff;
	[tilespmem:s11+$0x420] =	vst v60  }
0x11f: {  	v55 =	vor.u32 v12, v39;
	[tilespmem:s0+$0x420] =	vst v43;
	v42 =	vld.idx.msk [tilespmem:v63+s9+$0x0], $0xffff  }
0x120: {  	v58 =	vor.u32 v12, v34;
	v41 =	vld.idx.msk [tilespmem:v57+s9+$0x0], $0xffff;
	[tilespmem:s10+$0x420] =	vst v59  }
0x121: {  	v54 =	vor.u32 v12, v38;
	[tilespmem:s30+$0x460] =	vst v62;
	v46 =	vld.idx.msk [tilespmem:v61+s9+$0x0], $0xffff  }
0x122: {  	v56 =	vor.u32 v12, v37;
	v36 =	vld.idx.msk [tilespmem:v53+s9+$0x0], $0xffff;
	[tilespmem:s23+$0x450] =	vst v45  }
0x123: {  	v57 =	vld.idx.msk [tilespmem:v52+s9+$0x0], $0xffff;
	v59 =	vor.u32 v14, v33;
	[tilespmem:s1+$0x430] =	vst v40  }
0x124: {  	v60 =	vor.u32 v14, v35;
	v40 =	vld.idx.msk [tilespmem:v55+s9+$0x0], $0xffff;
	[tilespmem:s11+$0x430] =	vst v42  }
0x125: {  	v62 =	vor.u32 v13, v39;
	[tilespmem:s0+$0x430] =	vst v41;
	v45 =	vld.idx.msk [tilespmem:v58+s9+$0x0], $0xffff  }
0x126: {  	v53 =	vor.u32 v13, v34;
	v43 =	vld.idx.msk [tilespmem:v54+s9+$0x0], $0xffff;
	[tilespmem:s10+$0x430] =	vst v46  }
0x127: {  	v61 =	vor.u32 v13, v38;
	[tilespmem:s30+$0x470] =	vst v36;
	v46 =	vld.idx.msk [tilespmem:v56+s9+$0x0], $0xffff  }
0x128: {  	v63 =	vor.u32 v13, v37;
	[tilespmem:s22+$0x450] =	vst v57;
	v52 =	vld.idx.msk [tilespmem:v59+s9+$0x0], $0xffff  }
0x129: {  	v41 =	vld.idx.msk [tilespmem:v60+s9+$0x0], $0xffff;
	v54 =	vor.u32 v14, v32;
	[tilespmem:s1+$0x440] =	vst v40  }
0x12a: {  	v55 =	vor.u32 v15, v33;
	v40 =	vld.idx.msk [tilespmem:v62+s9+$0x0], $0xffff;
	[tilespmem:s11+$0x440] =	vst v45  }
0x12b: {  	v58 =	vor.u32 v14, v39;
	[tilespmem:s0+$0x440] =	vst v43;
	v36 =	vld.idx.msk [tilespmem:v53+s9+$0x0], $0xffff  }
0x12c: {  	v43 =	vld.idx.msk [tilespmem:v61+s9+$0x0], $0xffff;
	[tilespmem:s10+$0x440] =	vst v46;
	v61 =	vor.u32 v14, v34  }
0x12d: {  	v56 =	vor.u32 v14, v38;
	[tilespmem:s26+$0x460] =	vst v52;
	v57 =	vld.idx.msk [tilespmem:v63+s9+$0x0], $0xffff  }
0x12e: {  	v59 =	vor.u32 v14, v37;
	[tilespmem:s23+$0x460] =	vst v41;
	v60 =	vld.idx.msk [tilespmem:v54+s9+$0x0], $0xffff  }
0x12f: {  	v62 =	vor.u32 v15, v35;
	v33 =	vld.idx.msk [tilespmem:v55+s9+$0x0], $0xffff;
	[tilespmem:s1+$0x450] =	vst v40  }
0x130: {  	v63 =	vor.u32 v15, v32;
	v40 =	vld.idx.msk [tilespmem:v58+s9+$0x0], $0xffff;
	[tilespmem:s11+$0x450] =	vst v36  }
0x131: {  	v46 =	vor.u32 v15, v39;
	[tilespmem:s0+$0x450] =	vst v43;
	v48 =	vld.idx.msk [tilespmem:v61+s9+$0x0], $0xffff  }
0x132: {  	v49 =	vor.u32 v15, v34;
	v42 =	vld.idx.msk [tilespmem:v56+s9+$0x0], $0xffff;
	[tilespmem:s10+$0x450] =	vst v57  }
0x133: {  	v38 =	vor.u32 v15, v38;
	[tilespmem:s22+$0x460] =	vst v60;
	v45 =	vld.idx.msk [tilespmem:v59+s9+$0x0], $0xffff  }
0x134: {  	v37 =	vor.u32 v15, v37;
	v35 =	vld.idx.msk [tilespmem:v62+s9+$0x0], $0xffff;
	[tilespmem:s26+$0x470] =	vst v33  }
0x135: {  	v32 =	vld.idx.msk [tilespmem:v63+s9+$0x0], $0xffff;
	[tilespmem:s1+$0x460] =	vst v40  }
0x136: {  	v36 =	vld.idx.msk [tilespmem:v46+s9+$0x0], $0xffff;
	[tilespmem:s11+$0x460] =	vst v48  }
0x137: {  	[tilespmem:s0+$0x460] =	vst v42;
	v33 =	vld.idx.msk [tilespmem:v49+s9+$0x0], $0xffff  }
0x138: {  	s20 =	simm.s32 $0x1;
	v50 =	vld.idx.msk [tilespmem:v38+s9+$0x0], $0xffff;
	[tilespmem:s10+$0x460] =	vst v45  }
0x139: {  	v51 =	vmov s20;
	[tilespmem:s23+$0x470] =	vst v35;
	v37 =	vld.idx.msk [tilespmem:v37+s9+$0x0], $0xffff  }
0x13a: {  	v52 =	vand.u32 $0x7D, v51;
	[tilespmem:s22+$0x470] =	vst v32  }
0x13b: {  	v34 =	vbroadcast v52, $0x0;
	[tilespmem:s1+$0x470] =	vst v36  }
0x13c: {  	[tilespmem:s11+$0x470] =	vst v33  }
0x13d: {  	v32 =	vor.u32 v16, v34;
	[tilespmem:s0+$0x470] =	vst v50  }
0x13e: {  	[tilespmem:s10+$0x470] =	vst v37  }
0x13f: {  	_ =	swait.ge [sflag:s16], $0x4000  }
0x140: {  	[sflag:s16] =	ssyncset.done $0x0  }
0x141: {  	s23 =	simm.s32 $0x0;
	[sflag:s16] =	ssyncadd.s32 $0xFFFFC000  }
0x142: {  	s24 =	sand.u32 $0x7, s23;
	v32 =	vld.idx.msk [tilespmem:v32+s9+$0x0], $0xffff  }
0x143: {  	v53 =	vor.u32 v17, v34;
	s0 =	sshll.u32 s24, $0x7  }
0x144: {  	v55 =	vmov s23;
	s4 =	sadd.s32 $0x0, s0  }
0x145: {  	v57 =	vand.u32 $0x7C, v55;
	s0 =	sadd.s32 $0x80, s4  }
0x146: {  	s26 =	simm.s32 $0x2;
	v38 =	vbroadcast v57, $0x0;
	s25 =	sor.u32 $0x800, s0  }
0x147: {  	v54 =	vmov s26;
	[tilespmem:s25+$0x10200] =	vst v32  }
0x148: {  	v59 =	vor.u32 v16, v38;
	v32 =	vand.u32 $0x7E, v54;
	v33 =	vld.idx.msk [tilespmem:v53+s9+$0x0], $0xffff  }
0x149: {  	v56 =	vor.u32 v18, v34;
	v39 =	vbroadcast v32, $0x0;
	_ =	sdelay $0x1  }
0x14a: {  	s11 =	simm.s32 $0x3;
	v58 =	vor.u32 v16, v39  }
0x14b: {  	v62 =	vmov s11;
	s10 =	sor.u32 $0x810, s0  }
0x14c: {  	p0 =	por $0x0, $0x0;
	v40 =	vand.u32 $0x7F, v62;
	v35 =	vld.idx.msk [tilespmem:v59+s9+$0x0], $0xffff;
	[tilespmem:s10+$0x10200] =	vst v33;
	s10 =	simm.s32 $0x1  }
0x14d: {  	v63 =	vor.u32 v17, v38;
	v40 =	vbroadcast v40, $0x0;
	v33 =	vld.idx.msk [tilespmem:v56+s9+$0x0], $0xffff;
	s10 =	simm.s32 @!p0 $0x0  }
0x14e: {  	v60 =	vor.u32 v19, v34;
	s18 =	sshll.u32 s10, $0x9  }
0x14f: {  	v50 =	vor.u32 v16, v40;
	v32 =	vld.idx.msk [tilespmem:v58+s9+$0x0], $0xffff;
	s10 =	sadd.s32 $0x0, s18  }
0x150: {  	s1 =	sand.u32 $0x3, s23;
	v61 =	vor.u32 v17, v39;
	s22 =	sor.u32 $0x800, s10  }
0x151: {  	s12 =	simm.s32 $0x5;
	s1 =	sshll.u32 s1, $0x8;
	s13 =	sor.u32 $0x820, s0;
	[tilespmem:s22+$0x10200] =	vst v35  }
0x152: {  	v47 =	vmov s12;
	s1 =	sadd.s32 $0x100, s1;
	[tilespmem:s13+$0x10200] =	vst v33;
	v42 =	vld.idx.msk [tilespmem:v63+s9+$0x0], $0xffff  }
0x153: {  	s20 =	simm.s32 $0x6;
	s19 =	sor.u32 $0x800, s1;
	v53 =	vor.u32 v18, v38;
	v33 =	vand.u32 $0x7D, v47;
	v36 =	vld.idx.msk [tilespmem:v60+s9+$0x0], $0xffff  }
0x154: {  	v48 =	vor.u32 v20, v34;
	v49 =	vmov s20;
	s24 =	simm.s32 $0x4;
	v44 =	vld.idx.msk [tilespmem:v50+s9+$0x0], $0xffff;
	v41 =	vbroadcast v33, $0x0;
	[tilespmem:s19+$0x10200] =	vst v32  }
0x155: {  	v57 =	vor.u32 v17, v40;
	v54 =	vmov s24;
	v32 =	vand.u32 $0x7E, v49;
	v37 =	vld.idx.msk [tilespmem:v61+s9+$0x0], $0xffff  }
0x156: {  	s26 =	sor.u32 $0x810, s10;
	v33 =	vbroadcast v32, $0x0;
	v32 =	vand.u32 $0x7C, v54;
	v51 =	vor.u32 v16, v41  }
0x157: {  	s23 =	sor.u32 $0x830, s0;
	v52 =	vor.u32 v18, v39;
	s13 =	sadd.s32 $0x180, s4;
	v32 =	vbroadcast v32, $0x0;
	[tilespmem:s26+$0x10200] =	vst v42  }
0x158: {  	s20 =	sor.u32 $0x800, s13;
	v55 =	vor.u32 v16, v33;
	[tilespmem:s23+$0x10200] =	vst v36;
	v46 =	vld.idx.msk [tilespmem:v53+s9+$0x0], $0xffff  }
0x159: {  	s11 =	sand.u32 $0x7, s24;
	s25 =	sor.u32 $0x810, s1;
	[tilespmem:s20+$0x10200] =	vst v44;
	v59 =	vor.u32 v16, v32;
	v43 =	vld.idx.msk [tilespmem:v48+s9+$0x0], $0xffff  }
0x15a: {  	s12 =	sshll.u32 s11, $0x7;
	v56 =	vor.u32 v21, v34;
	[tilespmem:s25+$0x10200] =	vst v37;
	v37 =	vld.idx.msk [tilespmem:v57+s9+$0x0], $0xffff  }
0x15b: {  	s11 =	sadd.s32 $0x800, s12;
	v63 =	vor.u32 v18, v40;
	v35 =	vld.idx.msk [tilespmem:v51+s9+$0x0], $0xffff  }
0x15c: {  	p0 =	por !p0, !p0;
	s19 =	simm.s32 $0x2;
	s20 =	sor.u32 $0x820, s10;
	v58 =	vor.u32 v17, v41;
	v45 =	vld.idx.msk [tilespmem:v52+s9+$0x0], $0xffff  }
0x15d: {  	s18 =	sor.u32 $0x840, s0;
	s12 =	sor.u32 $0x810, s13;
	s5 =	sand.u32 $0x3, s19;
	v36 =	vld.idx.msk [tilespmem:v55+s9+$0x0], $0xffff;
	v55 =	vor.u32 v19, v38;
	[tilespmem:s20+$0x10200] =	vst v46  }
0x15e: {  	v61 =	vor.u32 v17, v33;
	s23 =	sshll.u32 s5, $0x8;
	s5 =	simm.s32 $0x1;
	s25 =	sadd.s32 $0x80, s11;
	v52 =	vld.idx.msk [tilespmem:v59+s9+$0x0], $0xffff;
	[tilespmem:s18+$0x10200] =	vst v43  }
0x15f: {  	v54 =	vor.u32 v17, v32;
	s5 =	simm.s32 @!p0 $0x0;
	s22 =	sor.u32 $0x800, s25;
	[tilespmem:s12+$0x10200] =	vst v37;
	v47 =	vld.idx.msk [tilespmem:v56+s9+$0x0], $0xffff  }
0x160: {  	v62 =	vor.u32 v22, v34;
	s24 =	sor.u32 $0x820, s1;
	s23 =	sadd.s32 $0x900, s23;
	s5 =	sshll.u32 s5, $0x9;
	[tilespmem:s22+$0x10200] =	vst v35;
	v37 =	vld.idx.msk [tilespmem:v63+s9+$0x0], $0xffff  }
0x161: {  	v57 =	vor.u32 v19, v40;
	s4 =	sor.u32 $0x800, s23;
	[tilespmem:s24+$0x10200] =	vst v45;
	s22 =	sadd.s32 $0x800, s5;
	v42 =	vld.idx.msk [tilespmem:v58+s9+$0x0], $0xffff  }
0x162: {  	v53 =	vor.u32 v18, v41;
	[tilespmem:s4+$0x10200] =	vst v36;
	s19 =	sor.u32 $0x800, s22;
	v36 =	vld.idx.msk [tilespmem:v55+s9+$0x0], $0xffff  }
0x163: {  	v60 =	vor.u32 v19, v39;
	s26 =	sor.u32 $0x850, s0;
	v43 =	vld.idx.msk [tilespmem:v61+s9+$0x0], $0xffff;
	[tilespmem:s19+$0x10200] =	vst v52  }
0x164: {  	v56 =	vor.u32 v18, v33;
	s5 =	sor.u32 $0x820, s13;
	v45 =	vld.idx.msk [tilespmem:v54+s9+$0x0], $0xffff;
	[tilespmem:s26+$0x10200] =	vst v47  }
0x165: {  	v59 =	vor.u32 v18, v32;
	s18 =	sor.u32 $0x810, s25;
	[tilespmem:s5+$0x10200] =	vst v37;
	v35 =	vld.idx.msk [tilespmem:v62+s9+$0x0], $0xffff  }
0x166: {  	v34 =	vor.u32 v23, v34;
	s20 =	sor.u32 $0x830, s10;
	[tilespmem:s18+$0x10200] =	vst v42;
	v63 =	vld.idx.msk [tilespmem:v57+s9+$0x0], $0xffff  }
0x167: {  	v44 =	vor.u32 v20, v40;
	s24 =	sor.u32 $0x810, s23;
	[tilespmem:s20+$0x10200] =	vst v36;
	v42 =	vld.idx.msk [tilespmem:v53+s9+$0x0], $0xffff  }
0x168: {  	v49 =	vld.idx.msk [tilespmem:v60+s9+$0x0], $0xffff;
	v58 =	vor.u32 v19, v41;
	s18 =	sor.u32 $0x810, s22;
	[tilespmem:s24+$0x10200] =	vst v43;
	s24 =	simm.s32 $0x9  }
0x169: {  	v60 =	vor.u32 v20, v38;
	s26 =	sor.u32 $0x860, s0;
	v47 =	vld.idx.msk [tilespmem:v56+s9+$0x0], $0xffff;
	[tilespmem:s18+$0x10200] =	vst v45;
	v56 =	vmov s24  }
0x16a: {  	v61 =	vor.u32 v20, v39;
	s20 =	sor.u32 $0x830, s13;
	v43 =	vld.idx.msk [tilespmem:v59+s9+$0x0], $0xffff;
	v36 =	vand.u32 $0x7D, v56;
	[tilespmem:s26+$0x10200] =	vst v35  }
0x16b: {  	s12 =	sor.u32 $0x820, s25;
	s19 =	simm.s32 $0x7;
	v62 =	vor.u32 v19, v33;
	v36 =	vbroadcast v36, $0x0;
	[tilespmem:s20+$0x10200] =	vst v63;
	v48 =	vld.idx.msk [tilespmem:v34+s9+$0x0], $0xffff  }
0x16c: {  	v46 =	vor.u32 v19, v32;
	v55 =	vmov s19;
	[tilespmem:s12+$0x10200] =	vst v42;
	v44 =	vld.idx.msk [tilespmem:v44+s9+$0x0], $0xffff  }
0x16d: {  	v50 =	vand.u32 $0x7F, v55;
	s18 =	simm.s32 $0xA;
	s26 =	sor.u32 $0x830, s1;
	v63 =	vor.u32 v16, v36;
	v45 =	vld.idx.msk [tilespmem:v58+s9+$0x0], $0xffff  }
0x16e: {  	s19 =	sor.u32 $0x820, s23;
	v57 =	vor.u32 v20, v41;
	v59 =	vmov s18;
	v35 =	vbroadcast v50, $0x0;
	[tilespmem:s26+$0x10200] =	vst v49;
	v58 =	vld.idx.msk [tilespmem:v60+s9+$0x0], $0xffff  }
0x16f: {  	s26 =	sor.u32 $0x820, s22;
	[tilespmem:s19+$0x10200] =	vst v47;
	v47 =	vld.idx.msk [tilespmem:v61+s9+$0x0], $0xffff;
	v60 =	vand.u32 $0x7E, v59;
	v61 =	vor.u32 v21, v38  }
0x170: {  	s29 =	simm.s32 $0x8;
	v52 =	vld.idx.msk [tilespmem:v62+s9+$0x0], $0xffff;
	v34 =	vbroadcast v60, $0x0;
	v62 =	vor.u32 v16, v35;
	[tilespmem:s26+$0x10200] =	vst v43  }
0x171: {  	v55 =	vmov s29;
	s24 =	sor.u32 $0x830, s25;
	v46 =	vld.idx.msk [tilespmem:v46+s9+$0x0], $0xffff  }
0x172: {  	s5 =	sor.u32 $0x840, s10;
	v37 =	vand.u32 $0x7C, v55;
	v56 =	vor.u32 v16, v34;
	v42 =	vld.idx.msk [tilespmem:v63+s9+$0x0], $0xffff;
	[tilespmem:s24+$0x10200] =	vst v45  }
0x173: {  	s0 =	sor.u32 $0x870, s0;
	v37 =	vbroadcast v37, $0x0;
	[tilespmem:s5+$0x10200] =	vst v58;
	v58 =	vor.u32 v21, v39;
	v57 =	vld.idx.msk [tilespmem:v57+s9+$0x0], $0xffff  }
0x174: {  	v59 =	vor.u32 v21, v40;
	s19 =	sor.u32 $0x840, s13;
	[tilespmem:s0+$0x10200] =	vst v48;
	v50 =	vld.idx.msk [tilespmem:v61+s9+$0x0], $0xffff  }
0x175: {  	s20 =	sand.u32 $0x7, s29;
	s12 =	sor.u32 $0x840, s1;
	[tilespmem:s19+$0x10200] =	vst v44;
	v61 =	vld.idx.msk [tilespmem:v62+s9+$0x0], $0xffff;
	v62 =	vor.u32 v16, v37  }
0x176: {  	s18 =	sor.u32 $0x830, s23;
	v60 =	vor.u32 v21, v41;
	[tilespmem:s12+$0x10200] =	vst v47;
	s24 =	sadd.s32 $0x180, s11;
	s11 =	sshll.u32 s20, $0x7  }
0x177: {  	v63 =	vor.u32 v17, v35;
	s12 =	sor.u32 $0x830, s22;
	[tilespmem:s18+$0x10200] =	vst v52;
	s0 =	sadd.s32 $0x1000, s11;
	v45 =	vld.idx.msk [tilespmem:v56+s9+$0x0], $0xffff  }
0x178: {  	s31 =	simm.s32 $0x4;
	s26 =	sor.u32 $0x840, s25;
	v44 =	vor.u32 v17, v36;
	[tilespmem:s12+$0x10200] =	vst v46;
	s28 =	sadd.s32 $0x80, s0;
	v43 =	vld.idx.msk [tilespmem:v58+s9+$0x0], $0xffff  }
0x179: {  	s19 =	sand.u32 $0x3, s31;
	v56 =	vor.u32 v17, v34;
	s12 =	sor.u32 $0x800, s28;
	[tilespmem:s26+$0x10200] =	vst v57;
	v57 =	vld.idx.msk [tilespmem:v59+s9+$0x0], $0xffff  }
0x17a: {  	p0 =	por !p0, !p0;
	s20 =	sor.u32 $0x800, s24;
	s11 =	sshll.u32 s19, $0x8;
	[tilespmem:s12+$0x10200] =	vst v42;
	v58 =	vor.u32 v22, v39;
	v59 =	vld.idx.msk [tilespmem:v62+s9+$0x0], $0xffff  }
0x17b: {  	s5 =	simm.s32 $0x1;
	s18 =	sor.u32 $0x850, s10;
	s26 =	sadd.s32 $0x1100, s11;
	[tilespmem:s20+$0x10200] =	vst v61;
	v47 =	vld.idx.msk [tilespmem:v60+s9+$0x0], $0xffff;
	v60 =	vor.u32 v22, v40  }
0x17c: {  	s5 =	simm.s32 @!p0 $0x0;
	[tilespmem:s18+$0x10200] =	vst v50;
	s18 =	sor.u32 $0x800, s26;
	v62 =	vld.idx.msk [tilespmem:v63+s9+$0x0], $0xffff;
	v63 =	vor.u32 v17, v37  }
0x17d: {  	s19 =	sor.u32 $0x850, s1;
	s5 =	sshll.u32 s5, $0x9;
	v44 =	vld.idx.msk [tilespmem:v44+s9+$0x0], $0xffff;
	v61 =	vor.u32 v22, v41;
	[tilespmem:s18+$0x10200] =	vst v45  }
0x17e: {  	v55 =	vor.u32 v18, v35;
	s30 =	sadd.s32 $0x1000, s5;
	s20 =	sor.u32 $0x850, s13;
	v45 =	vld.idx.msk [tilespmem:v56+s9+$0x0], $0xffff;
	[tilespmem:s19+$0x10200] =	vst v43  }
0x17f: {  	s5 =	sor.u32 $0x800, s30;
	v56 =	vor.u32 v18, v36;
	v48 =	vld.idx.msk [tilespmem:v58+s9+$0x0], $0xffff;
	[tilespmem:s20+$0x10200] =	vst v57  }
0x180: {  	s12 =	sor.u32 $0x850, s25;
	v57 =	vor.u32 v18, v34;
	[tilespmem:s5+$0x10200] =	vst v59;
	v58 =	vld.idx.msk [tilespmem:v60+s9+$0x0], $0xffff  }
0x181: {  	v39 =	vor.u32 v23, v39;
	s18 =	sor.u32 $0x810, s24;
	[tilespmem:s12+$0x10200] =	vst v47;
	v50 =	vld.idx.msk [tilespmem:v63+s9+$0x0], $0xffff  }
0x182: {  	s19 =	sor.u32 $0x810, s28;
	[tilespmem:s18+$0x10200] =	vst v62;
	v60 =	vor.u32 v22, v38;
	v42 =	vld.idx.msk [tilespmem:v61+s9+$0x0], $0xffff  }
0x183: {  	v40 =	vor.u32 v23, v40;
	[tilespmem:s19+$0x10200] =	vst v44;
	s20 =	sor.u32 $0x810, s26;
	v49 =	vld.idx.msk [tilespmem:v55+s9+$0x0], $0xffff  }
0x184: {  	v59 =	vor.u32 v23, v41;
	s5 =	sor.u32 $0x860, s1;
	v61 =	vld.idx.msk [tilespmem:v56+s9+$0x0], $0xffff;
	[tilespmem:s20+$0x10200] =	vst v45  }
0x185: {  	s11 =	sor.u32 $0x860, s13;
	v63 =	vor.u32 v19, v35;
	v62 =	vld.idx.msk [tilespmem:v57+s9+$0x0], $0xffff;
	[tilespmem:s5+$0x10200] =	vst v48  }
0x186: {  	v54 =	vor.u32 v19, v36;
	s12 =	sor.u32 $0x860, s25;
	v41 =	vld.idx.msk [tilespmem:v39+s9+$0x0], $0xffff;
	[tilespmem:s11+$0x10200] =	vst v58  }
0x187: {  	s19 =	sor.u32 $0x820, s24;
	v43 =	vld.idx.msk [tilespmem:v60+s9+$0x0], $0xffff;
	[tilespmem:s12+$0x10200] =	vst v42  }
0x188: {  	s4 =	sor.u32 $0x860, s10;
	s0 =	sadd.s32 $0x180, s0;
	s18 =	sor.u32 $0x810, s30;
	v40 =	vld.idx.msk [tilespmem:v40+s9+$0x0], $0xffff;
	[tilespmem:s19+$0x10200] =	vst v49;
	v49 =	vor.u32 v18, v37  }
0x189: {  	s1 =	sor.u32 $0x870, s1;
	s20 =	sor.u32 $0x820, s28;
	v48 =	vor.u32 v20, v32;
	s5 =	sor.u32 $0x870, s13;
	[tilespmem:s18+$0x10200] =	vst v50;
	v45 =	vld.idx.msk [tilespmem:v59+s9+$0x0], $0xffff  }
0x18a: {  	v46 =	vor.u32 v19, v34;
	v47 =	vor.u32 v20, v33;
	s13 =	simm.s32 $0xB;
	s11 =	simm.s32 $0xC;
	s19 =	sor.u32 $0x820, s26;
	[tilespmem:s20+$0x10200] =	vst v61;
	v44 =	vld.idx.msk [tilespmem:v63+s9+$0x0], $0xffff  }
0x18b: {  	v38 =	vor.u32 v23, v38;
	v39 =	vor.u32 v20, v35;
	s18 =	simm.s32 $0x1000;
	s12 =	simm.s32 $0x1100;
	s20 =	sor.u32 $0x870, s10;
	v42 =	vld.idx.msk [tilespmem:v54+s9+$0x0], $0xffff;
	[tilespmem:s19+$0x10200] =	vst v62  }
.LBB2_6:
0x18c: {  	s19 =	sadd.s32 $0x1, s11;
	p1 =	slt.u32 s11, $0x3C;
	[tilespmem:s1+$0x10200] =	vst v41;
	s1 =	smov.u32 s11  }
0x18d: {  	v49 =	vld.idx.msk [tilespmem:v49+s9+$0x0], $0xffff;
	v50 =	vor.u32 v19, v37;
	v51 =	vmov s13;
	s11 =	sadd.s32 $0x4, s11;
	s13 =	smov.u32 s0;
	s10 =	smov.u32 s23  }
0x18e: {  	v52 =	vor.u32 v20, v36;
	v41 =	vmov s19;
	s0 =	sadd.s32 $0x2, s1;
	v51 =	vand.u32 $0x7F, v51;
	v48 =	vld.idx.msk [tilespmem:v48+s9+$0x0], $0xffff;
	s19 =	sor.u32 $0x870, s25;
	[tilespmem:s5+$0x10200] =	vst v40;
	s25 =	smov.u32 s28  }
0x18f: {  	s23 =	smov.u32 s26;
	v40 =	vand.u32 $0x7D, v41;
	v53 =	vmov s0;
	v41 =	vbroadcast v51, $0x0;
	[tilespmem:s19+$0x10200] =	vst v45;
	v45 =	vld.idx.msk [tilespmem:v47+s9+$0x0], $0xffff;
	s19 =	smov.u32 s22;
	s22 =	smov.u32 s30  }
0x190: {  	v51 =	vor.u32 v21, v32;
	s0 =	sor.u32 $0x830, s24;
	v40 =	vbroadcast v40, $0x0;
	v47 =	vand.u32 $0x7E, v53;
	v46 =	vld.idx.msk [tilespmem:v46+s9+$0x0], $0xffff;
	[tilespmem:s4+$0x10200] =	vst v43  }
0x191: {  	s4 =	sor.u32 $0x830, s25;
	v43 =	vbroadcast v47, $0x0;
	v47 =	vor.u32 v16, v41;
	v53 =	vor.u32 v20, v41;
	[tilespmem:s0+$0x10200] =	vst v44;
	v38 =	vld.idx.msk [tilespmem:v38+s9+$0x0], $0xffff  }
0x192: {  	s0 =	sor.u32 $0x820, s22;
	v44 =	vor.u32 v16, v40;
	[tilespmem:s4+$0x10200] =	vst v42;
	v42 =	vld.idx.msk [tilespmem:v39+s9+$0x0], $0xffff;
	v39 =	vmov v53  }
0x193: {  	v53 =	vmov s1;
	v54 =	vor.u32 v16, v43;
	[tilespmem:s0+$0x10200] =	vst v49;
	v49 =	vld.idx.msk [tilespmem:v52+s9+$0x0], $0xffff;
	s0 =	sor.u32 $0x840, s19  }
0x194: {  	v52 =	vand.u32 $0x7C, v53;
	v53 =	vor.u32 v21, v35;
	v50 =	vld.idx.msk [tilespmem:v50+s9+$0x0], $0xffff;
	[tilespmem:s0+$0x10200] =	vst v48;
	s0 =	sor.u32 $0x840, s10;
	v48 =	vor.u32 v21, v33  }
0x195: {  	s4 =	sor.u32 $0x830, s23;
	v52 =	vbroadcast v52, $0x0;
	v51 =	vld.idx.msk [tilespmem:v51+s9+$0x0], $0xffff;
	[tilespmem:s0+$0x10200] =	vst v45  }
0x196: {  	v45 =	vor.u32 v21, v36;
	s0 =	sor.u32 $0x840, s24;
	[tilespmem:s4+$0x10200] =	vst v46;
	v46 =	vld.idx.msk [tilespmem:v47+s9+$0x0], $0xffff  }
0x197: {  	s29 =	sadd.s32 $0x4, s29;
	s12 =	sadd.s32 $0x800, s12;
	v47 =	vor.u32 v16, v52;
	s4 =	sor.u32 $0x850, s19;
	v44 =	vld.idx.msk [tilespmem:v44+s9+$0x0], $0xffff;
	[tilespmem:s20+$0x10200] =	vst v38  }
0x198: {  	s31 =	sadd.s32 $0x2, s31;
	s5 =	sand.u32 $0x7, s29;
	s20 =	sor.u32 $0x840, s25;
	v38 =	vld.idx.msk [tilespmem:v54+s9+$0x0], $0xffff;
	v54 =	vor.u32 v17, v41;
	[tilespmem:s0+$0x10200] =	vst v42  }
0x199: {  	s18 =	sadd.s32 $0x800, s18;
	s0 =	sshll.u32 s5, $0x7;
	v42 =	vor.u32 v17, v40;
	s5 =	sor.u32 $0x830, s22;
	[tilespmem:s20+$0x10200] =	vst v49;
	v48 =	vld.idx.msk [tilespmem:v48+s9+$0x0], $0xffff  }
0x19a: {  	s0 =	sadd.s32 s0, s18;
	s20 =	sand.u32 $0x3, s31;
	v49 =	vor.u32 v17, v43;
	[tilespmem:s5+$0x10200] =	vst v50;
	s5 =	sor.u32 $0x800, s13;
	v50 =	vld.idx.msk [tilespmem:v53+s9+$0x0], $0xffff  }
0x19b: {  	s20 =	sshll.u32 s20, $0x8;
	s28 =	sadd.s32 $0x80, s0;
	s0 =	sadd.s32 $0x180, s0;
	v45 =	vld.idx.msk [tilespmem:v45+s9+$0x0], $0xffff;
	[tilespmem:s4+$0x10200] =	vst v51;
	v51 =	vor.u32 v22, v33  }
0x19c: {  	s26 =	sadd.s32 s20, s12;
	s4 =	sor.u32 $0x800, s28;
	v47 =	vld.idx.msk [tilespmem:v47+s9+$0x0], $0xffff;
	[tilespmem:s5+$0x10200] =	vst v46;
	v46 =	vor.u32 v22, v35  }
0x19d: {  	p0 =	por !p0, !p0;
	s5 =	simm.s32 $0x1;
	[tilespmem:s4+$0x10200] =	vst v44;
	s4 =	sor.u32 $0x800, s26;
	v44 =	vor.u32 v22, v36;
	v53 =	vld.idx.msk [tilespmem:v54+s9+$0x0], $0xffff  }
0x19e: {  	s20 =	sor.u32 $0x850, s24;
	s5 =	simm.s32 @!p0 $0x0;
	v54 =	vor.u32 v17, v52;
	v42 =	vld.idx.msk [tilespmem:v42+s9+$0x0], $0xffff;
	[tilespmem:s4+$0x10200] =	vst v38;
	s4 =	sor.u32 $0x850, s10  }
0x19f: {  	v55 =	vor.u32 v18, v41;
	s5 =	sshll.u32 s5, $0x9;
	v49 =	vld.idx.msk [tilespmem:v49+s9+$0x0], $0xffff;
	[tilespmem:s4+$0x10200] =	vst v48  }
0x1a0: {  	s30 =	sadd.s32 s5, s18;
	v48 =	vor.u32 v18, v40;
	s4 =	sor.u32 $0x850, s25;
	v51 =	vld.idx.msk [tilespmem:v51+s9+$0x0], $0xffff;
	[tilespmem:s20+$0x10200] =	vst v50  }
0x1a1: {  	s5 =	sor.u32 $0x800, s30;
	v50 =	vor.u32 v18, v43;
	[tilespmem:s4+$0x10200] =	vst v45;
	v45 =	vld.idx.msk [tilespmem:v46+s9+$0x0], $0xffff  }
0x1a2: {  	v38 =	vor.u32 v23, v32;
	s4 =	sor.u32 $0x810, s13;
	v46 =	vor.u32 v23, v33;
	v33 =	vmov v34;
	[tilespmem:s5+$0x10200] =	vst v47;
	v44 =	vld.idx.msk [tilespmem:v44+s9+$0x0], $0xffff  }
0x1a3: {  	v34 =	vmov v43;
	s5 =	sor.u32 $0x810, s28;
	v47 =	vld.idx.msk [tilespmem:v54+s9+$0x0], $0xffff;
	[tilespmem:s4+$0x10200] =	vst v53;
	v53 =	vor.u32 v23, v35;
	v35 =	vmov v41  }
0x1a4: {  	s4 =	sor.u32 $0x810, s26;
	v54 =	vor.u32 v22, v32;
	[tilespmem:s5+$0x10200] =	vst v42;
	v42 =	vor.u32 v23, v36;
	v43 =	vld.idx.msk [tilespmem:v55+s9+$0x0], $0xffff;
	v36 =	vmov v40  }
0x1a5: {  	s20 =	sor.u32 $0x860, s24;
	v32 =	vmov v37;
	v37 =	vmov v52;
	s5 =	sor.u32 $0x860, s10;
	v55 =	vld.idx.msk [tilespmem:v48+s9+$0x0], $0xffff;
	[tilespmem:s4+$0x10200] =	vst v49;
	s4 =	sor.u32 $0x860, s19  }
0x1a6: {  	v52 =	vor.u32 v19, v35;
	v50 =	vld.idx.msk [tilespmem:v50+s9+$0x0], $0xffff;
	[tilespmem:s5+$0x10200] =	vst v51  }
0x1a7: {  	v51 =	vor.u32 v19, v36;
	s5 =	sor.u32 $0x860, s25;
	v41 =	vld.idx.msk [tilespmem:v46+s9+$0x0], $0xffff;
	[tilespmem:s20+$0x10200] =	vst v45  }
.Ltmp2:
0x1a8: {  	v49 =	vor.u32 v18, v37;
	s20 =	sor.u32 $0x810, s30;
	[tilespmem:s5+$0x10200] =	vst v44;
	v40 =	vld.idx.msk [tilespmem:v53+s9+$0x0], $0xffff;
	(pc) =	sbr.rel @p1 .LBB2_6-.Ltmp2, $4  }
0x1a9: {  	v48 =	vor.u32 v20, v32;
	s5 =	sor.u32 $0x820, s13;
	[tilespmem:s20+$0x10200] =	vst v47;
	v45 =	vld.idx.msk [tilespmem:v42+s9+$0x0], $0xffff  }
0x1aa: {  	s20 =	sor.u32 $0x820, s28;
	v47 =	vor.u32 v20, v33;
	[tilespmem:s5+$0x10200] =	vst v43;
	v43 =	vld.idx.msk [tilespmem:v54+s9+$0x0], $0xffff  }
0x1ab: {  	v46 =	vor.u32 v19, v34;
	s5 =	sor.u32 $0x870, s24;
	s24 =	smov.u32 s13;
	[tilespmem:s20+$0x10200] =	vst v55;
	s20 =	sor.u32 $0x820, s26;
	v44 =	vld.idx.msk [tilespmem:v52+s9+$0x0], $0xffff  }
0x1ac: {  	s13 =	sadd.s32 $0x3, s1;
	s1 =	sor.u32 $0x870, s10;
	v42 =	vld.idx.msk [tilespmem:v51+s9+$0x0], $0xffff;
	[tilespmem:s20+$0x10200] =	vst v50;
	s20 =	sor.u32 $0x870, s19  }
0x1ad: {  	v50 =	vmov s13  }
0x1ae: {  	v50 =	vand.u32 $0x7F, v50  }
0x1af: {  	v50 =	vbroadcast v50, $0x0;
	_ =	sdelay $0x1  }
0x1b0: {  	v51 =	vor.u32 v16, v50;
	_ =	sdelay $0x4  }
0x1b1: {  	v51 =	vld.idx.msk [tilespmem:v51+s9+$0x0], $0xffff  }
0x1b2: {  	v52 =	vor.u32 v17, v50;
	_ =	sdelay $0x2  }
0x1b3: {  	s10 =	sor.u32 $0x800, s0  }
0x1b4: {  	[tilespmem:s10+$0x10200] =	vst v51  }
0x1b5: {  	v51 =	vld.idx.msk [tilespmem:v52+s9+$0x0], $0xffff  }
0x1b6: {  	[tilespmem:s1+$0x10200] =	vst v41;
	v63 =	vor.u32 v18, v50  }
0x1b7: {  	s11 =	sor.u32 $0x870, s25;
	[tilespmem:s5+$0x10200] =	vst v40  }
0x1b8: {  	v55 =	vld.idx.msk [tilespmem:v49+s9+$0x0], $0xffff;
	[tilespmem:s11+$0x10200] =	vst v45  }
0x1b9: {  	s12 =	sor.u32 $0x810, s0;
	v56 =	vld.idx.msk [tilespmem:v48+s9+$0x0], $0xffff;
	v60 =	vor.u32 v19, v37;
	[tilespmem:s4+$0x10200] =	vst v43  }
0x1ba: {  	s13 =	sor.u32 $0x830, s24;
	v47 =	vld.idx.msk [tilespmem:v47+s9+$0x0], $0xffff;
	[tilespmem:s12+$0x10200] =	vst v51  }
0x1bb: {  	v57 =	vor.u32 v20, v36;
	s18 =	sor.u32 $0x830, s28;
	[tilespmem:s13+$0x10200] =	vst v44;
	v58 =	vld.idx.msk [tilespmem:v63+s9+$0x0], $0xffff  }
0x1bc: {  	s19 =	sor.u32 $0x820, s30;
	v38 =	vld.idx.msk [tilespmem:v38+s9+$0x0], $0xffff;
	v59 =	vor.u32 v19, v50;
	[tilespmem:s18+$0x10200] =	vst v42  }
0x1bd: {  	v46 =	vld.idx.msk [tilespmem:v46+s9+$0x0], $0xffff;
	v61 =	vor.u32 v21, v32;
	s25 =	sor.u32 $0x840, s22;
	[tilespmem:s19+$0x10200] =	vst v55  }
0x1be: {  	s5 =	sor.u32 $0x840, s23;
	v53 =	vor.u32 v20, v34;
	[tilespmem:s25+$0x10200] =	vst v56;
	v48 =	vld.idx.msk [tilespmem:v60+s9+$0x0], $0xffff  }
0x1bf: {  	s4 =	sor.u32 $0x820, s0;
	v39 =	vld.idx.msk [tilespmem:v39+s9+$0x0], $0xffff;
	[tilespmem:s5+$0x10200] =	vst v47;
	v55 =	vor.u32 v20, v37  }
0x1c0: {  	v62 =	vor.u32 v21, v33;
	v63 =	vld.idx.msk [tilespmem:v57+s9+$0x0], $0xffff;
	[tilespmem:s4+$0x10200] =	vst v58  }
0x1c1: {  	[tilespmem:s20+$0x10200] =	vst v38;
	s10 =	sor.u32 $0x830, s26;
	v52 =	vor.u32 v21, v35;
	v44 =	vld.idx.msk [tilespmem:v59+s9+$0x0], $0xffff  }
0x1c2: {  	v54 =	vor.u32 v20, v50;
	s18 =	sor.u32 $0x830, s30;
	v42 =	vld.idx.msk [tilespmem:v61+s9+$0x0], $0xffff;
	[tilespmem:s10+$0x10200] =	vst v46  }
0x1c3: {  	s11 =	sor.u32 $0x840, s24;
	v56 =	vor.u32 v21, v36;
	[tilespmem:s18+$0x10200] =	vst v48;
	v43 =	vld.idx.msk [tilespmem:v53+s9+$0x0], $0xffff  }
0x1c4: {  	v61 =	vor.u32 v21, v34;
	[tilespmem:s11+$0x10200] =	vst v39;
	v38 =	vld.idx.msk [tilespmem:v55+s9+$0x0], $0xffff;
	s12 =	sor.u32 $0x840, s28  }
0x1c5: {  	s13 =	sor.u32 $0x830, s0;
	v57 =	vld.idx.msk [tilespmem:v62+s9+$0x0], $0xffff;
	[tilespmem:s12+$0x10200] =	vst v63;
	v63 =	vor.u32 v21, v37  }
0x1c6: {  	s19 =	sor.u32 $0x850, s22;
	v58 =	vld.idx.msk [tilespmem:v52+s9+$0x0], $0xffff;
	v59 =	vor.u32 v22, v33;
	[tilespmem:s13+$0x10200] =	vst v44  }
0x1c7: {  	v60 =	vor.u32 v22, v35;
	[tilespmem:s19+$0x10200] =	vst v42;
	s4 =	sor.u32 $0x840, s26;
	v44 =	vld.idx.msk [tilespmem:v54+s9+$0x0], $0xffff  }
0x1c8: {  	s10 =	sor.u32 $0x840, s30;
	v62 =	vor.u32 v21, v50;
	v46 =	vld.idx.msk [tilespmem:v56+s9+$0x0], $0xffff;
	[tilespmem:s4+$0x10200] =	vst v43  }
0x1c9: {  	s20 =	sor.u32 $0x850, s23;
	[tilespmem:s10+$0x10200] =	vst v38;
	v52 =	vor.u32 v22, v36;
	v55 =	vld.idx.msk [tilespmem:v61+s9+$0x0], $0xffff  }
0x1ca: {  	s25 =	sor.u32 $0x850, s24;
	[tilespmem:s20+$0x10200] =	vst v57;
	v57 =	vor.u32 v22, v34;
	v39 =	vld.idx.msk [tilespmem:v63+s9+$0x0], $0xffff  }
0x1cb: {  	s5 =	sor.u32 $0x840, s0;
	[tilespmem:s25+$0x10200] =	vst v58;
	v41 =	vld.idx.msk [tilespmem:v59+s9+$0x0], $0xffff;
	v59 =	vor.u32 v22, v37  }
0x1cc: {  	s11 =	sor.u32 $0x850, s28;
	v53 =	vor.u32 v23, v33;
	v40 =	vld.idx.msk [tilespmem:v60+s9+$0x0], $0xffff;
	[tilespmem:s5+$0x10200] =	vst v44  }
0x1cd: {  	s18 =	sor.u32 $0x850, s26;
	[tilespmem:s11+$0x10200] =	vst v46;
	v54 =	vor.u32 v22, v32;
	v56 =	vld.idx.msk [tilespmem:v62+s9+$0x0], $0xffff  }
0x1ce: {  	s20 =	sor.u32 $0x850, s30;
	v58 =	vor.u32 v22, v50;
	v46 =	vld.idx.msk [tilespmem:v52+s9+$0x0], $0xffff;
	[tilespmem:s18+$0x10200] =	vst v55  }
0x1cf: {  	s12 =	sor.u32 $0x860, s23;
	v60 =	vor.u32 v23, v35;
	v42 =	vld.idx.msk [tilespmem:v57+s9+$0x0], $0xffff;
	[tilespmem:s20+$0x10200] =	vst v39  }
0x1d0: {  	v61 =	vor.u32 v23, v36;
	s13 =	sor.u32 $0x860, s24;
	[tilespmem:s12+$0x10200] =	vst v41;
	v41 =	vld.idx.msk [tilespmem:v59+s9+$0x0], $0xffff  }
0x1d1: {  	v47 =	vor.u32 v23, v34;
	s19 =	sor.u32 $0x850, s0;
	[tilespmem:s13+$0x10200] =	vst v40;
	v33 =	vld.idx.msk [tilespmem:v53+s9+$0x0], $0xffff  }
0x1d2: {  	v49 =	vor.u32 v23, v37;
	s25 =	sor.u32 $0x860, s28;
	v62 =	vld.idx.msk [tilespmem:v54+s9+$0x0], $0xffff;
	[tilespmem:s19+$0x10200] =	vst v56  }
0x1d3: {  	v63 =	vor.u32 v23, v32;
	s11 =	sor.u32 $0x860, s26;
	[tilespmem:s25+$0x10200] =	vst v46;
	v38 =	vld.idx.msk [tilespmem:v58+s9+$0x0], $0xffff  }
0x1d4: {  	v48 =	vor.u32 v23, v50;
	s13 =	sor.u32 $0x860, s30;
	v35 =	vld.idx.msk [tilespmem:v60+s9+$0x0], $0xffff;
	[tilespmem:s11+$0x10200] =	vst v42  }
0x1d5: {  	s5 =	sor.u32 $0x870, s23;
	v36 =	vld.idx.msk [tilespmem:v61+s9+$0x0], $0xffff;
	[tilespmem:s13+$0x10200] =	vst v41  }
0x1d6: {  	s10 =	sor.u32 $0x860, s22;
	v50 =	vld.idx.msk [tilespmem:v47+s9+$0x0], $0xffff;
	[tilespmem:s5+$0x10200] =	vst v33  }
0x1d7: {  	s12 =	sor.u32 $0x860, s0;
	v33 =	vld.idx.msk [tilespmem:v49+s9+$0x0], $0xffff;
	[tilespmem:s10+$0x10200] =	vst v62  }
0x1d8: {  	s18 =	sor.u32 $0x870, s24;
	s19 =	simm.s32 $0x1;
	v32 =	vld.idx.msk [tilespmem:v63+s9+$0x0], $0xffff;
	[tilespmem:s12+$0x10200] =	vst v38  }
0x1d9: {  	s20 =	sor.u32 $0x870, s28;
	[tilespmem:s18+$0x10200] =	vst v35;
	v51 =	vmov s19;
	v38 =	vld.idx.msk [tilespmem:v48+s9+$0x0], $0xffff  }
0x1da: {  	s23 =	sor.u32 $0x870, s26;
	[tilespmem:s20+$0x10200] =	vst v36;
	v34 =	vand.u32 $0x7D, v51  }
0x1db: {  	s25 =	sor.u32 $0x870, s30;
	[tilespmem:s23+$0x10200] =	vst v50;
	v34 =	vbroadcast v34, $0x0  }
0x1dc: {  	s22 =	sor.u32 $0x870, s22;
	[tilespmem:s25+$0x10200] =	vst v33  }
0x1dd: {  	s24 =	sor.u32 $0x870, s0;
	v52 =	vor.u32 v24, v34;
	[tilespmem:s22+$0x10200] =	vst v32  }
0x1de: {  	[tilespmem:s24+$0x10200] =	vst v38  }
0x1df: {  	_ =	swait.ge [sflag:s17], $0x4000  }
0x1e0: {  	[sflag:s17] =	ssyncset.done $0x0  }
0x1e1: {  	s26 =	simm.s32 $0x0;
	[sflag:s17] =	ssyncadd.s32 $0xFFFFC000  }
0x1e2: {  	s5 =	sand.u32 $0x7, s26;
	v32 =	vld.idx.msk [tilespmem:v52+s9+$0x0], $0xffff  }
0x1e3: {  	s0 =	sshll.u32 s5, $0x7;
	v53 =	vor.u32 v25, v34  }
0x1e4: {  	v55 =	vmov s26;
	s4 =	sadd.s32 $0x0, s0  }
0x1e5: {  	v57 =	vand.u32 $0x7C, v55;
	s0 =	sadd.s32 $0x80, s4  }
0x1e6: {  	s10 =	sor.u32 $0xC00, s0;
	v38 =	vbroadcast v57, $0x0  }
0x1e7: {  	s11 =	simm.s32 $0x2;
	[tilespmem:s10+$0x10200] =	vst v32  }
0x1e8: {  	v54 =	vmov s11;
	v59 =	vor.u32 v24, v38;
	v33 =	vld.idx.msk [tilespmem:v53+s9+$0x0], $0xffff  }
0x1e9: {  	v56 =	vor.u32 v26, v34;
	v32 =	vand.u32 $0x7E, v54  }
0x1ea: {  	v39 =	vbroadcast v32, $0x0;
	_ =	sdelay $0x1  }
0x1eb: {  	s13 =	simm.s32 $0x3;
	s12 =	sor.u32 $0xC10, s0;
	v58 =	vor.u32 v24, v39  }
0x1ec: {  	p0 =	por $0x0, $0x0;
	v62 =	vmov s13;
	v35 =	vld.idx.msk [tilespmem:v59+s9+$0x0], $0xffff;
	s10 =	simm.s32 $0x1;
	[tilespmem:s12+$0x10200] =	vst v33  }
0x1ed: {  	v40 =	vand.u32 $0x7F, v62;
	v63 =	vor.u32 v25, v38;
	s10 =	simm.s32 @!p0 $0x0;
	v33 =	vld.idx.msk [tilespmem:v56+s9+$0x0], $0xffff  }
0x1ee: {  	v40 =	vbroadcast v40, $0x0;
	v60 =	vor.u32 v27, v34;
	s18 =	sshll.u32 s10, $0x9  }
0x1ef: {  	s10 =	sadd.s32 $0x0, s18  }
0x1f0: {  	v50 =	vor.u32 v24, v40;
	s22 =	sor.u32 $0xC00, s10;
	s12 =	simm.s32 $0x5;
	v32 =	vld.idx.msk [tilespmem:v58+s9+$0x0], $0xffff  }
0x1f1: {  	s1 =	sand.u32 $0x3, s26;
	s11 =	sor.u32 $0xC20, s0;
	v61 =	vor.u32 v25, v39;
	[tilespmem:s22+$0x10200] =	vst v35;
	v47 =	vmov s12  }
0x1f2: {  	s1 =	sshll.u32 s1, $0x8;
	v42 =	vld.idx.msk [tilespmem:v63+s9+$0x0], $0xffff;
	[tilespmem:s11+$0x10200] =	vst v33;
	v33 =	vand.u32 $0x7D, v47  }
0x1f3: {  	s1 =	sadd.s32 $0x100, s1;
	s20 =	simm.s32 $0x6;
	v53 =	vor.u32 v26, v38;
	v36 =	vld.idx.msk [tilespmem:v60+s9+$0x0], $0xffff;
	v41 =	vbroadcast v33, $0x0  }
0x1f4: {  	s19 =	sor.u32 $0xC00, s1;
	v49 =	vmov s20;
	v48 =	vor.u32 v28, v34;
	s24 =	simm.s32 $0x4  }
0x1f5: {  	v44 =	vld.idx.msk [tilespmem:v50+s9+$0x0], $0xffff;
	v54 =	vmov s24;
	[tilespmem:s19+$0x10200] =	vst v32;
	v32 =	vand.u32 $0x7E, v49;
	v51 =	vor.u32 v24, v41  }
0x1f6: {  	v57 =	vor.u32 v25, v40;
	s26 =	sor.u32 $0xC10, s10;
	v37 =	vld.idx.msk [tilespmem:v61+s9+$0x0], $0xffff;
	v33 =	vbroadcast v32, $0x0;
	v32 =	vand.u32 $0x7C, v54  }
0x1f7: {  	s23 =	sor.u32 $0xC30, s0;
	v52 =	vor.u32 v26, v39;
	[tilespmem:s26+$0x10200] =	vst v42;
	v32 =	vbroadcast v32, $0x0  }
0x1f8: {  	s13 =	sadd.s32 $0x180, s4;
	v46 =	vld.idx.msk [tilespmem:v53+s9+$0x0], $0xffff;
	v55 =	vor.u32 v24, v33;
	[tilespmem:s23+$0x10200] =	vst v36  }
0x1f9: {  	s20 =	sor.u32 $0xC00, s13;
	v59 =	vor.u32 v24, v32;
	v43 =	vld.idx.msk [tilespmem:v48+s9+$0x0], $0xffff  }
0x1fa: {  	s25 =	sor.u32 $0xC10, s1;
	[tilespmem:s20+$0x10200] =	vst v44;
	v56 =	vor.u32 v29, v34;
	s11 =	sand.u32 $0x7, s24;
	v35 =	vld.idx.msk [tilespmem:v51+s9+$0x0], $0xffff  }
0x1fb: {  	p0 =	por !p0, !p0;
	s12 =	sshll.u32 s11, $0x7;
	v58 =	vor.u32 v25, v41;
	[tilespmem:s25+$0x10200] =	vst v37;
	v37 =	vld.idx.msk [tilespmem:v57+s9+$0x0], $0xffff  }
0x1fc: {  	s20 =	sor.u32 $0xC20, s10;
	v63 =	vor.u32 v26, v40;
	s19 =	simm.s32 $0x2;
	s11 =	sadd.s32 $0x800, s12;
	v45 =	vld.idx.msk [tilespmem:v52+s9+$0x0], $0xffff  }
0x1fd: {  	s18 =	sor.u32 $0xC40, s0;
	s5 =	sand.u32 $0x3, s19;
	[tilespmem:s20+$0x10200] =	vst v46;
	s25 =	sadd.s32 $0x80, s11;
	v36 =	vld.idx.msk [tilespmem:v55+s9+$0x0], $0xffff;
	v55 =	vor.u32 v27, v38  }
0x1fe: {  	v61 =	vor.u32 v25, v33;
	s23 =	sshll.u32 s5, $0x8;
	s5 =	simm.s32 $0x1;
	s22 =	sor.u32 $0xC00, s25;
	v52 =	vld.idx.msk [tilespmem:v59+s9+$0x0], $0xffff;
	[tilespmem:s18+$0x10200] =	vst v43  }
0x1ff: {  	s12 =	sor.u32 $0xC10, s13;
	v54 =	vor.u32 v25, v32;
	s5 =	simm.s32 @!p0 $0x0;
	v47 =	vld.idx.msk [tilespmem:v56+s9+$0x0], $0xffff;
	[tilespmem:s22+$0x10200] =	vst v35  }
0x200: {  	v62 =	vor.u32 v30, v34;
	s24 =	sor.u32 $0xC20, s1;
	s23 =	sadd.s32 $0x900, s23;
	s5 =	sshll.u32 s5, $0x9;
	[tilespmem:s12+$0x10200] =	vst v37;
	v42 =	vld.idx.msk [tilespmem:v58+s9+$0x0], $0xffff  }
0x201: {  	v53 =	vor.u32 v26, v41;
	s4 =	sor.u32 $0xC00, s23;
	[tilespmem:s24+$0x10200] =	vst v45;
	s22 =	sadd.s32 $0x800, s5;
	v37 =	vld.idx.msk [tilespmem:v63+s9+$0x0], $0xffff  }
0x202: {  	v57 =	vor.u32 v27, v40;
	[tilespmem:s4+$0x10200] =	vst v36;
	s19 =	sor.u32 $0xC00, s22;
	v36 =	vld.idx.msk [tilespmem:v55+s9+$0x0], $0xffff  }
0x203: {  	s26 =	sor.u32 $0xC50, s0;
	v60 =	vor.u32 v27, v39;
	v43 =	vld.idx.msk [tilespmem:v61+s9+$0x0], $0xffff;
	[tilespmem:s19+$0x10200] =	vst v52  }
0x204: {  	s18 =	sor.u32 $0xC10, s25;
	v56 =	vor.u32 v26, v33;
	v45 =	vld.idx.msk [tilespmem:v54+s9+$0x0], $0xffff;
	[tilespmem:s26+$0x10200] =	vst v47  }
0x205: {  	v59 =	vor.u32 v26, v32;
	s5 =	sor.u32 $0xC20, s13;
	v35 =	vld.idx.msk [tilespmem:v62+s9+$0x0], $0xffff;
	[tilespmem:s18+$0x10200] =	vst v42  }
0x206: {  	v34 =	vor.u32 v31, v34;
	s20 =	sor.u32 $0xC30, s10;
	[tilespmem:s5+$0x10200] =	vst v37;
	v42 =	vld.idx.msk [tilespmem:v53+s9+$0x0], $0xffff  }
0x207: {  	s24 =	sor.u32 $0xC10, s23;
	v58 =	vor.u32 v27, v41;
	v63 =	vld.idx.msk [tilespmem:v57+s9+$0x0], $0xffff;
	[tilespmem:s20+$0x10200] =	vst v36  }
0x208: {  	v49 =	vld.idx.msk [tilespmem:v60+s9+$0x0], $0xffff;
	v60 =	vor.u32 v28, v38;
	s18 =	sor.u32 $0xC10, s22;
	[tilespmem:s24+$0x10200] =	vst v43;
	s24 =	simm.s32 $0x9  }
0x209: {  	v61 =	vor.u32 v28, v39;
	s26 =	sor.u32 $0xC60, s0;
	v47 =	vld.idx.msk [tilespmem:v56+s9+$0x0], $0xffff;
	[tilespmem:s18+$0x10200] =	vst v45;
	v56 =	vmov s24  }
0x20a: {  	s12 =	sor.u32 $0xC20, s25;
	v62 =	vor.u32 v27, v33;
	v43 =	vld.idx.msk [tilespmem:v59+s9+$0x0], $0xffff;
	v36 =	vand.u32 $0x7D, v56;
	[tilespmem:s26+$0x10200] =	vst v35  }
0x20b: {  	v44 =	vor.u32 v28, v40;
	s19 =	simm.s32 $0x7;
	s20 =	sor.u32 $0xC30, s13;
	v36 =	vbroadcast v36, $0x0;
	v48 =	vld.idx.msk [tilespmem:v34+s9+$0x0], $0xffff;
	[tilespmem:s12+$0x10200] =	vst v42  }
0x20c: {  	v46 =	vor.u32 v27, v32;
	v55 =	vmov s19;
	s18 =	simm.s32 $0xA;
	s26 =	sor.u32 $0xC30, s1;
	[tilespmem:s20+$0x10200] =	vst v63;
	v45 =	vld.idx.msk [tilespmem:v58+s9+$0x0], $0xffff  }
0x20d: {  	s19 =	sor.u32 $0xC20, s23;
	v50 =	vand.u32 $0x7F, v55;
	v59 =	vmov s18;
	[tilespmem:s26+$0x10200] =	vst v49;
	v63 =	vor.u32 v24, v36;
	v58 =	vld.idx.msk [tilespmem:v60+s9+$0x0], $0xffff  }
0x20e: {  	v57 =	vor.u32 v28, v41;
	v35 =	vbroadcast v50, $0x0;
	[tilespmem:s19+$0x10200] =	vst v47;
	v47 =	vld.idx.msk [tilespmem:v61+s9+$0x0], $0xffff;
	v60 =	vand.u32 $0x7E, v59  }
0x20f: {  	s29 =	simm.s32 $0x8;
	s26 =	sor.u32 $0xC20, s22;
	v61 =	vor.u32 v29, v38;
	v62 =	vld.idx.msk [tilespmem:v62+s9+$0x0], $0xffff;
	v34 =	vbroadcast v60, $0x0  }
0x210: {  	v55 =	vmov s29;
	s24 =	sor.u32 $0xC30, s25;
	v44 =	vld.idx.msk [tilespmem:v44+s9+$0x0], $0xffff;
	v53 =	vor.u32 v24, v35;
	[tilespmem:s26+$0x10200] =	vst v43  }
0x211: {  	s5 =	sor.u32 $0xC40, s10;
	v37 =	vand.u32 $0x7C, v55;
	v46 =	vld.idx.msk [tilespmem:v46+s9+$0x0], $0xffff;
	v56 =	vor.u32 v24, v34;
	[tilespmem:s24+$0x10200] =	vst v45  }
0x212: {  	s0 =	sor.u32 $0xC70, s0;
	v37 =	vbroadcast v37, $0x0;
	v42 =	vld.idx.msk [tilespmem:v63+s9+$0x0], $0xffff;
	[tilespmem:s5+$0x10200] =	vst v58;
	v58 =	vor.u32 v29, v39  }
0x213: {  	s18 =	sor.u32 $0xC30, s23;
	v59 =	vor.u32 v29, v40;
	[tilespmem:s0+$0x10200] =	vst v48;
	v57 =	vld.idx.msk [tilespmem:v57+s9+$0x0], $0xffff  }
0x214: {  	s20 =	sand.u32 $0x7, s29;
	s19 =	sor.u32 $0xC40, s13;
	v50 =	vld.idx.msk [tilespmem:v61+s9+$0x0], $0xffff;
	[tilespmem:s18+$0x10200] =	vst v62;
	v62 =	vor.u32 v24, v37  }
0x215: {  	s12 =	sor.u32 $0xC40, s1;
	v60 =	vor.u32 v29, v41;
	[tilespmem:s19+$0x10200] =	vst v44;
	s24 =	sadd.s32 $0x180, s11;
	s11 =	sshll.u32 s20, $0x7;
	v61 =	vld.idx.msk [tilespmem:v53+s9+$0x0], $0xffff  }
0x216: {  	v63 =	vor.u32 v25, v35;
	[tilespmem:s12+$0x10200] =	vst v47;
	s12 =	sor.u32 $0xC30, s22;
	s0 =	sadd.s32 $0x1000, s11;
	v45 =	vld.idx.msk [tilespmem:v56+s9+$0x0], $0xffff  }
0x217: {  	s31 =	simm.s32 $0x4;
	s26 =	sor.u32 $0xC40, s25;
	v44 =	vor.u32 v25, v36;
	[tilespmem:s12+$0x10200] =	vst v46;
	s28 =	sadd.s32 $0x80, s0;
	v43 =	vld.idx.msk [tilespmem:v58+s9+$0x0], $0xffff  }
0x218: {  	s19 =	sand.u32 $0x3, s31;
	v56 =	vor.u32 v25, v34;
	s12 =	sor.u32 $0xC00, s28;
	[tilespmem:s26+$0x10200] =	vst v57;
	v57 =	vld.idx.msk [tilespmem:v59+s9+$0x0], $0xffff  }
0x219: {  	p0 =	por !p0, !p0;
	s20 =	sor.u32 $0xC00, s24;
	s11 =	sshll.u32 s19, $0x8;
	[tilespmem:s12+$0x10200] =	vst v42;
	v58 =	vor.u32 v30, v39;
	v59 =	vld.idx.msk [tilespmem:v62+s9+$0x0], $0xffff  }
0x21a: {  	s5 =	simm.s32 $0x1;
	s18 =	sor.u32 $0xC50, s10;
	s26 =	sadd.s32 $0x1100, s11;
	[tilespmem:s20+$0x10200] =	vst v61;
	v47 =	vld.idx.msk [tilespmem:v60+s9+$0x0], $0xffff;
	v60 =	vor.u32 v30, v40  }
0x21b: {  	s5 =	simm.s32 @!p0 $0x0;
	[tilespmem:s18+$0x10200] =	vst v50;
	s18 =	sor.u32 $0xC00, s26;
	v62 =	vld.idx.msk [tilespmem:v63+s9+$0x0], $0xffff;
	v63 =	vor.u32 v25, v37  }
0x21c: {  	s19 =	sor.u32 $0xC50, s1;
	s5 =	sshll.u32 s5, $0x9;
	v44 =	vld.idx.msk [tilespmem:v44+s9+$0x0], $0xffff;
	v61 =	vor.u32 v30, v41;
	[tilespmem:s18+$0x10200] =	vst v45  }
0x21d: {  	v55 =	vor.u32 v26, v35;
	s30 =	sadd.s32 $0x1000, s5;
	s20 =	sor.u32 $0xC50, s13;
	v45 =	vld.idx.msk [tilespmem:v56+s9+$0x0], $0xffff;
	[tilespmem:s19+$0x10200] =	vst v43  }
0x21e: {  	s5 =	sor.u32 $0xC00, s30;
	v56 =	vor.u32 v26, v36;
	v48 =	vld.idx.msk [tilespmem:v58+s9+$0x0], $0xffff;
	[tilespmem:s20+$0x10200] =	vst v57  }
0x21f: {  	s12 =	sor.u32 $0xC50, s25;
	v57 =	vor.u32 v26, v34;
	[tilespmem:s5+$0x10200] =	vst v59;
	v58 =	vld.idx.msk [tilespmem:v60+s9+$0x0], $0xffff  }
0x220: {  	v39 =	vor.u32 v31, v39;
	s18 =	sor.u32 $0xC10, s24;
	[tilespmem:s12+$0x10200] =	vst v47;
	v50 =	vld.idx.msk [tilespmem:v63+s9+$0x0], $0xffff  }
0x221: {  	s19 =	sor.u32 $0xC10, s28;
	[tilespmem:s18+$0x10200] =	vst v62;
	v60 =	vor.u32 v30, v38;
	v42 =	vld.idx.msk [tilespmem:v61+s9+$0x0], $0xffff  }
0x222: {  	v40 =	vor.u32 v31, v40;
	[tilespmem:s19+$0x10200] =	vst v44;
	s20 =	sor.u32 $0xC10, s26;
	v49 =	vld.idx.msk [tilespmem:v55+s9+$0x0], $0xffff  }
0x223: {  	v59 =	vor.u32 v31, v41;
	s5 =	sor.u32 $0xC60, s1;
	v61 =	vld.idx.msk [tilespmem:v56+s9+$0x0], $0xffff;
	[tilespmem:s20+$0x10200] =	vst v45  }
0x224: {  	s11 =	sor.u32 $0xC60, s13;
	v63 =	vor.u32 v27, v35;
	v62 =	vld.idx.msk [tilespmem:v57+s9+$0x0], $0xffff;
	[tilespmem:s5+$0x10200] =	vst v48  }
0x225: {  	v54 =	vor.u32 v27, v36;
	s12 =	sor.u32 $0xC60, s25;
	v41 =	vld.idx.msk [tilespmem:v39+s9+$0x0], $0xffff;
	[tilespmem:s11+$0x10200] =	vst v58  }
0x226: {  	s19 =	sor.u32 $0xC20, s24;
	v43 =	vld.idx.msk [tilespmem:v60+s9+$0x0], $0xffff;
	[tilespmem:s12+$0x10200] =	vst v42  }
0x227: {  	s4 =	sor.u32 $0xC60, s10;
	s0 =	sadd.s32 $0x180, s0;
	s18 =	sor.u32 $0xC10, s30;
	v40 =	vld.idx.msk [tilespmem:v40+s9+$0x0], $0xffff;
	[tilespmem:s19+$0x10200] =	vst v49;
	v49 =	vor.u32 v26, v37  }
0x228: {  	s1 =	sor.u32 $0xC70, s1;
	s20 =	sor.u32 $0xC20, s28;
	v48 =	vor.u32 v28, v32;
	s5 =	sor.u32 $0xC70, s13;
	[tilespmem:s18+$0x10200] =	vst v50;
	v45 =	vld.idx.msk [tilespmem:v59+s9+$0x0], $0xffff  }
0x229: {  	v46 =	vor.u32 v27, v34;
	v47 =	vor.u32 v28, v33;
	s13 =	simm.s32 $0xB;
	s11 =	simm.s32 $0xC;
	s19 =	sor.u32 $0xC20, s26;
	[tilespmem:s20+$0x10200] =	vst v61;
	v44 =	vld.idx.msk [tilespmem:v63+s9+$0x0], $0xffff  }
0x22a: {  	v38 =	vor.u32 v31, v38;
	v39 =	vor.u32 v28, v35;
	s18 =	simm.s32 $0x1000;
	s12 =	simm.s32 $0x1100;
	s20 =	sor.u32 $0xC70, s10;
	v42 =	vld.idx.msk [tilespmem:v54+s9+$0x0], $0xffff;
	[tilespmem:s19+$0x10200] =	vst v62  }
.LBB2_8:
0x22b: {  	s19 =	sadd.s32 $0x1, s11;
	p1 =	slt.u32 s11, $0x3C;
	[tilespmem:s1+$0x10200] =	vst v41;
	s1 =	smov.u32 s11  }
0x22c: {  	v49 =	vld.idx.msk [tilespmem:v49+s9+$0x0], $0xffff;
	v50 =	vor.u32 v27, v37;
	v51 =	vmov s13;
	s11 =	sadd.s32 $0x4, s11;
	s13 =	smov.u32 s0;
	s10 =	smov.u32 s23  }
0x22d: {  	v52 =	vor.u32 v28, v36;
	v41 =	vmov s19;
	s0 =	sadd.s32 $0x2, s1;
	v51 =	vand.u32 $0x7F, v51;
	v48 =	vld.idx.msk [tilespmem:v48+s9+$0x0], $0xffff;
	s19 =	sor.u32 $0xC70, s25;
	[tilespmem:s5+$0x10200] =	vst v40;
	s25 =	smov.u32 s28  }
0x22e: {  	s23 =	smov.u32 s26;
	v40 =	vand.u32 $0x7D, v41;
	v53 =	vmov s0;
	v41 =	vbroadcast v51, $0x0;
	[tilespmem:s19+$0x10200] =	vst v45;
	v45 =	vld.idx.msk [tilespmem:v47+s9+$0x0], $0xffff;
	s19 =	smov.u32 s22;
	s22 =	smov.u32 s30  }
0x22f: {  	v51 =	vor.u32 v29, v32;
	s0 =	sor.u32 $0xC30, s24;
	v40 =	vbroadcast v40, $0x0;
	v47 =	vand.u32 $0x7E, v53;
	v46 =	vld.idx.msk [tilespmem:v46+s9+$0x0], $0xffff;
	[tilespmem:s4+$0x10200] =	vst v43  }
0x230: {  	s4 =	sor.u32 $0xC30, s25;
	v43 =	vbroadcast v47, $0x0;
	v47 =	vor.u32 v24, v41;
	v53 =	vor.u32 v28, v41;
	[tilespmem:s0+$0x10200] =	vst v44;
	v38 =	vld.idx.msk [tilespmem:v38+s9+$0x0], $0xffff  }
0x231: {  	s0 =	sor.u32 $0xC20, s22;
	v44 =	vor.u32 v24, v40;
	[tilespmem:s4+$0x10200] =	vst v42;
	v42 =	vld.idx.msk [tilespmem:v39+s9+$0x0], $0xffff;
	v39 =	vmov v53  }
0x232: {  	v53 =	vmov s1;
	v54 =	vor.u32 v24, v43;
	[tilespmem:s0+$0x10200] =	vst v49;
	v49 =	vld.idx.msk [tilespmem:v52+s9+$0x0], $0xffff;
	s0 =	sor.u32 $0xC40, s19  }
0x233: {  	v52 =	vand.u32 $0x7C, v53;
	v53 =	vor.u32 v29, v35;
	v50 =	vld.idx.msk [tilespmem:v50+s9+$0x0], $0xffff;
	[tilespmem:s0+$0x10200] =	vst v48;
	s0 =	sor.u32 $0xC40, s10;
	v48 =	vor.u32 v29, v33  }
0x234: {  	s4 =	sor.u32 $0xC30, s23;
	v52 =	vbroadcast v52, $0x0;
	v51 =	vld.idx.msk [tilespmem:v51+s9+$0x0], $0xffff;
	[tilespmem:s0+$0x10200] =	vst v45  }
0x235: {  	v45 =	vor.u32 v29, v36;
	s0 =	sor.u32 $0xC40, s24;
	[tilespmem:s4+$0x10200] =	vst v46;
	v46 =	vld.idx.msk [tilespmem:v47+s9+$0x0], $0xffff  }
0x236: {  	s29 =	sadd.s32 $0x4, s29;
	s12 =	sadd.s32 $0x800, s12;
	v47 =	vor.u32 v24, v52;
	s4 =	sor.u32 $0xC50, s19;
	v44 =	vld.idx.msk [tilespmem:v44+s9+$0x0], $0xffff;
	[tilespmem:s20+$0x10200] =	vst v38  }
0x237: {  	s31 =	sadd.s32 $0x2, s31;
	s5 =	sand.u32 $0x7, s29;
	s20 =	sor.u32 $0xC40, s25;
	v38 =	vld.idx.msk [tilespmem:v54+s9+$0x0], $0xffff;
	v54 =	vor.u32 v25, v41;
	[tilespmem:s0+$0x10200] =	vst v42  }
0x238: {  	s18 =	sadd.s32 $0x800, s18;
	s0 =	sshll.u32 s5, $0x7;
	v42 =	vor.u32 v25, v40;
	s5 =	sor.u32 $0xC30, s22;
	[tilespmem:s20+$0x10200] =	vst v49;
	v48 =	vld.idx.msk [tilespmem:v48+s9+$0x0], $0xffff  }
0x239: {  	s0 =	sadd.s32 s0, s18;
	s20 =	sand.u32 $0x3, s31;
	v49 =	vor.u32 v25, v43;
	[tilespmem:s5+$0x10200] =	vst v50;
	s5 =	sor.u32 $0xC00, s13;
	v50 =	vld.idx.msk [tilespmem:v53+s9+$0x0], $0xffff  }
0x23a: {  	s20 =	sshll.u32 s20, $0x8;
	s28 =	sadd.s32 $0x80, s0;
	s0 =	sadd.s32 $0x180, s0;
	v45 =	vld.idx.msk [tilespmem:v45+s9+$0x0], $0xffff;
	[tilespmem:s4+$0x10200] =	vst v51;
	v51 =	vor.u32 v30, v33  }
0x23b: {  	s26 =	sadd.s32 s20, s12;
	s4 =	sor.u32 $0xC00, s28;
	v47 =	vld.idx.msk [tilespmem:v47+s9+$0x0], $0xffff;
	[tilespmem:s5+$0x10200] =	vst v46;
	v46 =	vor.u32 v30, v35  }
0x23c: {  	p0 =	por !p0, !p0;
	s5 =	simm.s32 $0x1;
	[tilespmem:s4+$0x10200] =	vst v44;
	s4 =	sor.u32 $0xC00, s26;
	v44 =	vor.u32 v30, v36;
	v53 =	vld.idx.msk [tilespmem:v54+s9+$0x0], $0xffff  }
0x23d: {  	s20 =	sor.u32 $0xC50, s24;
	s5 =	simm.s32 @!p0 $0x0;
	v54 =	vor.u32 v25, v52;
	v42 =	vld.idx.msk [tilespmem:v42+s9+$0x0], $0xffff;
	[tilespmem:s4+$0x10200] =	vst v38;
	s4 =	sor.u32 $0xC50, s10  }
0x23e: {  	v55 =	vor.u32 v26, v41;
	s5 =	sshll.u32 s5, $0x9;
	v49 =	vld.idx.msk [tilespmem:v49+s9+$0x0], $0xffff;
	[tilespmem:s4+$0x10200] =	vst v48  }
0x23f: {  	s30 =	sadd.s32 s5, s18;
	v48 =	vor.u32 v26, v40;
	s4 =	sor.u32 $0xC50, s25;
	v51 =	vld.idx.msk [tilespmem:v51+s9+$0x0], $0xffff;
	[tilespmem:s20+$0x10200] =	vst v50  }
0x240: {  	s5 =	sor.u32 $0xC00, s30;
	v50 =	vor.u32 v26, v43;
	[tilespmem:s4+$0x10200] =	vst v45;
	v45 =	vld.idx.msk [tilespmem:v46+s9+$0x0], $0xffff  }
0x241: {  	v38 =	vor.u32 v31, v32;
	s4 =	sor.u32 $0xC10, s13;
	v46 =	vor.u32 v31, v33;
	v33 =	vmov v34;
	[tilespmem:s5+$0x10200] =	vst v47;
	v44 =	vld.idx.msk [tilespmem:v44+s9+$0x0], $0xffff  }
0x242: {  	v34 =	vmov v43;
	s5 =	sor.u32 $0xC10, s28;
	v47 =	vld.idx.msk [tilespmem:v54+s9+$0x0], $0xffff;
	[tilespmem:s4+$0x10200] =	vst v53;
	v53 =	vor.u32 v31, v35;
	v35 =	vmov v41  }
0x243: {  	s4 =	sor.u32 $0xC10, s26;
	v54 =	vor.u32 v30, v32;
	[tilespmem:s5+$0x10200] =	vst v42;
	v42 =	vor.u32 v31, v36;
	v43 =	vld.idx.msk [tilespmem:v55+s9+$0x0], $0xffff;
	v36 =	vmov v40  }
0x244: {  	s20 =	sor.u32 $0xC60, s24;
	v32 =	vmov v37;
	v37 =	vmov v52;
	s5 =	sor.u32 $0xC60, s10;
	v55 =	vld.idx.msk [tilespmem:v48+s9+$0x0], $0xffff;
	[tilespmem:s4+$0x10200] =	vst v49;
	s4 =	sor.u32 $0xC60, s19  }
0x245: {  	v52 =	vor.u32 v27, v35;
	v50 =	vld.idx.msk [tilespmem:v50+s9+$0x0], $0xffff;
	[tilespmem:s5+$0x10200] =	vst v51  }
0x246: {  	v51 =	vor.u32 v27, v36;
	s5 =	sor.u32 $0xC60, s25;
	v41 =	vld.idx.msk [tilespmem:v46+s9+$0x0], $0xffff;
	[tilespmem:s20+$0x10200] =	vst v45  }
.Ltmp3:
0x247: {  	v49 =	vor.u32 v26, v37;
	s20 =	sor.u32 $0xC10, s30;
	[tilespmem:s5+$0x10200] =	vst v44;
	v40 =	vld.idx.msk [tilespmem:v53+s9+$0x0], $0xffff;
	(pc) =	sbr.rel @p1 .LBB2_8-.Ltmp3, $4  }
0x248: {  	v48 =	vor.u32 v28, v32;
	s5 =	sor.u32 $0xC20, s13;
	[tilespmem:s20+$0x10200] =	vst v47;
	v45 =	vld.idx.msk [tilespmem:v42+s9+$0x0], $0xffff  }
0x249: {  	s20 =	sor.u32 $0xC20, s28;
	v47 =	vor.u32 v28, v33;
	[tilespmem:s5+$0x10200] =	vst v43;
	v43 =	vld.idx.msk [tilespmem:v54+s9+$0x0], $0xffff  }
0x24a: {  	v46 =	vor.u32 v27, v34;
	s5 =	sor.u32 $0xC70, s24;
	s24 =	smov.u32 s13;
	[tilespmem:s20+$0x10200] =	vst v55;
	s20 =	sor.u32 $0xC20, s26;
	v44 =	vld.idx.msk [tilespmem:v52+s9+$0x0], $0xffff  }
0x24b: {  	s13 =	sadd.s32 $0x3, s1;
	s1 =	sor.u32 $0xC70, s10;
	v42 =	vld.idx.msk [tilespmem:v51+s9+$0x0], $0xffff;
	[tilespmem:s20+$0x10200] =	vst v50;
	s20 =	sor.u32 $0xC70, s19  }
0x24c: {  	v50 =	vmov s13  }
0x24d: {  	v50 =	vand.u32 $0x7F, v50  }
0x24e: {  	v50 =	vbroadcast v50, $0x0;
	_ =	sdelay $0x1  }
0x24f: {  	v51 =	vor.u32 v24, v50;
	_ =	sdelay $0x4  }
0x250: {  	v51 =	vld.idx.msk [tilespmem:v51+s9+$0x0], $0xffff  }
0x251: {  	v52 =	vor.u32 v25, v50;
	_ =	sdelay $0x2  }
0x252: {  	s10 =	sor.u32 $0xC00, s0  }
0x253: {  	[tilespmem:s10+$0x10200] =	vst v51  }
0x254: {  	v51 =	vld.idx.msk [tilespmem:v52+s9+$0x0], $0xffff  }
0x255: {  	s25 =	sor.u32 $0xC70, s25;
	[tilespmem:s5+$0x10200] =	vst v40;
	v63 =	vor.u32 v26, v50  }
0x256: {  	v53 =	vld.idx.msk [tilespmem:v49+s9+$0x0], $0xffff;
	[tilespmem:s25+$0x10200] =	vst v45  }
0x257: {  	v54 =	vld.idx.msk [tilespmem:v48+s9+$0x0], $0xffff;
	s31 =	sor.u32 $0xC30, s24;
	v58 =	vor.u32 v27, v37;
	[tilespmem:s4+$0x10200] =	vst v43  }
0x258: {  	s29 =	sor.u32 $0xC10, s0;
	v55 =	vor.u32 v28, v36;
	v47 =	vld.idx.msk [tilespmem:v47+s9+$0x0], $0xffff;
	[tilespmem:s31+$0x10200] =	vst v44  }
0x259: {  	s5 =	sor.u32 $0xC30, s28;
	v46 =	vld.idx.msk [tilespmem:v46+s9+$0x0], $0xffff;
	[tilespmem:s29+$0x10200] =	vst v51  }
0x25a: {  	v59 =	vor.u32 v29, v32;
	[tilespmem:s5+$0x10200] =	vst v42;
	s10 =	sor.u32 $0xC20, s30;
	v56 =	vld.idx.msk [tilespmem:v63+s9+$0x0], $0xffff  }
0x25b: {  	s11 =	sor.u32 $0xC40, s22;
	v38 =	vld.idx.msk [tilespmem:v38+s9+$0x0], $0xffff;
	v57 =	vor.u32 v27, v50;
	[tilespmem:s10+$0x10200] =	vst v53  }
0x25c: {  	v60 =	vor.u32 v29, v33;
	s13 =	sor.u32 $0xC40, s23;
	[tilespmem:s11+$0x10200] =	vst v54;
	v48 =	vld.idx.msk [tilespmem:v58+s9+$0x0], $0xffff  }
0x25d: {  	s18 =	sor.u32 $0xC30, s26;
	v61 =	vld.idx.msk [tilespmem:v55+s9+$0x0], $0xffff;
	[tilespmem:s13+$0x10200] =	vst v47;
	v53 =	vor.u32 v28, v37  }
0x25e: {  	s12 =	sor.u32 $0xC20, s0;
	v39 =	vld.idx.msk [tilespmem:v39+s9+$0x0], $0xffff;
	[tilespmem:s18+$0x10200] =	vst v46;
	v54 =	vor.u32 v29, v36  }
0x25f: {  	v62 =	vor.u32 v29, v35;
	v42 =	vld.idx.msk [tilespmem:v59+s9+$0x0], $0xffff;
	[tilespmem:s12+$0x10200] =	vst v56  }
0x260: {  	s31 =	sor.u32 $0xC30, s30;
	[tilespmem:s20+$0x10200] =	vst v38;
	v63 =	vor.u32 v28, v34;
	v44 =	vld.idx.msk [tilespmem:v57+s9+$0x0], $0xffff  }
0x261: {  	s25 =	sor.u32 $0xC40, s28;
	v55 =	vld.idx.msk [tilespmem:v60+s9+$0x0], $0xffff;
	v52 =	vor.u32 v28, v50;
	[tilespmem:s31+$0x10200] =	vst v48  }
0x262: {  	s19 =	sor.u32 $0xC40, s24;
	[tilespmem:s25+$0x10200] =	vst v61;
	v38 =	vld.idx.msk [tilespmem:v53+s9+$0x0], $0xffff  }
0x263: {  	[tilespmem:s19+$0x10200] =	vst v39;
	v61 =	vor.u32 v29, v37;
	v46 =	vld.idx.msk [tilespmem:v54+s9+$0x0], $0xffff  }
0x264: {  	[tilespmem:s1+$0x10200] =	vst v41;
	s29 =	sor.u32 $0xC30, s0;
	v56 =	vld.idx.msk [tilespmem:v62+s9+$0x0], $0xffff;
	v62 =	vor.u32 v30, v36  }
0x265: {  	s5 =	sor.u32 $0xC50, s22;
	v43 =	vld.idx.msk [tilespmem:v63+s9+$0x0], $0xffff;
	v57 =	vor.u32 v30, v33;
	[tilespmem:s29+$0x10200] =	vst v44  }
0x266: {  	s18 =	sor.u32 $0xC40, s30;
	v59 =	vor.u32 v29, v34;
	[tilespmem:s5+$0x10200] =	vst v42;
	v44 =	vld.idx.msk [tilespmem:v52+s9+$0x0], $0xffff  }
0x267: {  	v60 =	vor.u32 v29, v50;
	s19 =	sor.u32 $0xC50, s28;
	[tilespmem:s18+$0x10200] =	vst v38  }
0x268: {  	s10 =	sor.u32 $0xC50, s23;
	v58 =	vor.u32 v30, v35;
	[tilespmem:s19+$0x10200] =	vst v46;
	v39 =	vld.idx.msk [tilespmem:v61+s9+$0x0], $0xffff  }
0x269: {  	v49 =	vor.u32 v30, v32;
	[tilespmem:s10+$0x10200] =	vst v55;
	s12 =	sor.u32 $0xC40, s26;
	v46 =	vld.idx.msk [tilespmem:v62+s9+$0x0], $0xffff  }
0x26a: {  	s13 =	sor.u32 $0xC40, s0;
	v55 =	vor.u32 v30, v37;
	[tilespmem:s12+$0x10200] =	vst v43;
	v41 =	vld.idx.msk [tilespmem:v57+s9+$0x0], $0xffff  }
0x26b: {  	s11 =	sor.u32 $0xC50, s24;
	v63 =	vor.u32 v31, v33;
	v51 =	vld.idx.msk [tilespmem:v59+s9+$0x0], $0xffff;
	[tilespmem:s13+$0x10200] =	vst v44  }
0x26c: {  	s5 =	sor.u32 $0xC50, s30;
	v53 =	vor.u32 v30, v34;
	[tilespmem:s11+$0x10200] =	vst v56;
	v52 =	vld.idx.msk [tilespmem:v60+s9+$0x0], $0xffff  }
0x26d: {  	v54 =	vor.u32 v30, v50;
	s10 =	sor.u32 $0xC60, s28;
	v40 =	vld.idx.msk [tilespmem:v58+s9+$0x0], $0xffff;
	[tilespmem:s5+$0x10200] =	vst v39  }
0x26e: {  	s20 =	sor.u32 $0xC60, s23;
	v57 =	vor.u32 v31, v36;
	v58 =	vld.idx.msk [tilespmem:v49+s9+$0x0], $0xffff;
	[tilespmem:s10+$0x10200] =	vst v46  }
0x26f: {  	v56 =	vor.u32 v31, v35;
	s29 =	sor.u32 $0xC50, s26;
	[tilespmem:s20+$0x10200] =	vst v41;
	v41 =	vld.idx.msk [tilespmem:v55+s9+$0x0], $0xffff  }
0x270: {  	s31 =	sor.u32 $0xC50, s0;
	v59 =	vor.u32 v31, v32;
	[tilespmem:s29+$0x10200] =	vst v51;
	v33 =	vld.idx.msk [tilespmem:v63+s9+$0x0], $0xffff  }
0x271: {  	s25 =	sor.u32 $0xC60, s24;
	v62 =	vor.u32 v31, v37;
	v42 =	vld.idx.msk [tilespmem:v53+s9+$0x0], $0xffff;
	[tilespmem:s31+$0x10200] =	vst v52  }
0x272: {  	s12 =	sor.u32 $0xC60, s22;
	[tilespmem:s25+$0x10200] =	vst v40;
	v60 =	vor.u32 v31, v34;
	v38 =	vld.idx.msk [tilespmem:v54+s9+$0x0], $0xffff  }
0x273: {  	s19 =	sor.u32 $0xC60, s30;
	v61 =	vor.u32 v31, v50;
	v36 =	vld.idx.msk [tilespmem:v57+s9+$0x0], $0xffff;
	[tilespmem:s12+$0x10200] =	vst v58  }
0x274: {  	s11 =	sor.u32 $0xC70, s23;
	v35 =	vld.idx.msk [tilespmem:v56+s9+$0x0], $0xffff;
	[tilespmem:s19+$0x10200] =	vst v41  }
0x275: {  	s13 =	sor.u32 $0xC60, s26;
	v32 =	vld.idx.msk [tilespmem:v59+s9+$0x0], $0xffff;
	[tilespmem:s11+$0x10200] =	vst v33  }
0x276: {  	s18 =	sor.u32 $0xC60, s0;
	[tilespmem:s13+$0x10200] =	vst v42;
	v33 =	vld.idx.msk [tilespmem:v62+s9+$0x0], $0xffff  }
0x277: {  	s23 =	sor.u32 $0xC70, s28;
	v34 =	vld.idx.msk [tilespmem:v60+s9+$0x0], $0xffff;
	[tilespmem:s18+$0x10200] =	vst v38  }
0x278: {  	s20 =	sor.u32 $0xC70, s24;
	[tilespmem:s23+$0x10200] =	vst v36;
	v63 =	vld.idx.msk [tilespmem:v61+s9+$0x0], $0xffff  }
0x279: {  	s24 =	sor.u32 $0xC70, s22;
	[tilespmem:s20+$0x10200] =	vst v35  }
0x27a: {  	s28 =	sor.u32 $0xC70, s30;
	[tilespmem:s24+$0x10200] =	vst v32  }
0x27b: {  	s25 =	sor.u32 $0xC70, s26;
	[tilespmem:s28+$0x10200] =	vst v33  }
0x27c: {  	s21 =	sadd.s32 $0x1, s21;
	s26 =	sor.u32 $0xC70, s0;
	[tilespmem:s25+$0x10200] =	vst v34  }
0x27d: {  	p0 =	sne.s32 s21, s6;
	s30 =	simm.s32 $0x20000;
	s29 =	simm.s32 $0x1000;
	[tilespmem:s26+$0x10200] =	vst v63  }
.Ltmp4:
0x27e: {  	s31 =	simm.s32 $0x10200;
	s0 =	rddreg [dreg:$0x5];
	(pc) =	sbr.rel @p0 .LBB2_1-.Ltmp4, $4  }
0x27f: {  	[hbm4b:s0+s29] =	stream.strided.scatter [tilespmem:s31], [sflag:$0x5], $0x8000, s30, s29, $0x38;
	[tilespmem:$0x18200] =	vst v63  }
0x280: {  	_ =	swait.ge [sflag:s7], $0x8000  }
0x281: {  	[sflag:s7] =	ssyncset.done $0x0  }
0x282: {  	[sflag:s7] =	ssyncadd.s32 $0xFFFF8000  }
0x283: {  	_ =	sfence.sel $0x180000  }
0x284: {  	[bflag:$0x0] =	sbarrier.arrive $0xFFFF  }
0x285: {  	_ =	strace $0x90000047  }
0x286: {  	s0 =	stileid.u32;
	[bflag:$0x2] =	sbarrier.arrive $0xFFFF  }
0x287: {  	p0 =	sne.s32 s0, $0x0;
	s0 =	rddreg [dreg:$0x3]  }
0x288: {  	s0 =	sadd.s32 @!p0 $0x100000, s0  }
0x289: {  	[sflag:s0] =	ssyncadd.tile.s32 @!p0 $0x1;
	_ =	shalt  }
.Lfunc_end2:
_tile_overlayer_lowered:
.L_overlay_start_2:
0x28a: {  	(tag) =	ssettag $0x2  }
0x28b: {  	s0 =	rddreg [dreg:$0x0];
	s2 =	stileid.u32  }
0x28c: {  	s1 =	rddreg [dreg:$0x1];
	p0 =	sne.s32 s2, $0x0  }
0x28d: {  	s3 =	rddreg [dreg:$0x2];
	[bflag:$0x3] =	sbarrier.arrive $0xFFFF;
	s2 =	simm.s32 @!p0 $0x1C05  }
0x28e: {  	[timem:s3], [sflag:s2] =	dma.local @!p0 [hbm:s0], s1  }
0x28f: {  	s0 =	simm.s32 @!p0 $0x5  }
0x290: {  	_ =	swait.ge @!p0 [sflag:s0], s1  }
0x291: {  	s1 =	ssub.s32 @!p0 $0x0, s1;
	[sflag:s0] =	ssyncset.done @!p0 $0x0  }
0x292: {  	[sflag:s0] =	ssyncadd.s32 @!p0 s1  }
0x293: {  	[bflag:$0x3] =	sbarrier.arrive $0xFFFF  }
0x294: {  	_ =	shalt  }

</sc_bundles>
